<compile_context>
chip_gen: v7x
topology: tpu7x:2x2x1
jax: 0.10.2.dev20260603
libtpu: 0.0.44.dev20260713+nightly
codegen_flags: <defaults>
</compile_context>

<pallas_src>
import jax
import jax.numpy as jnp
from jax import lax
from jax.experimental import pallas as pl
from jax.experimental.pallas import tpu as pltpu
from jax.experimental.pallas import tpu_sc as plsc

N = 24
F = 128
E = 384
HID = 8
L = 16


def _sc_counts_body(ei_hbm, out_hbm, ei_v, idx0, idx1, idx2,
                    ones_v, zeros_v, c_sh, sem, sem_z):
    sid = lax.axis_index("s")

    @pl.when(sid == 0)
    def _():
        for i in range(N * N // L):
            zeros_v[pl.ds(i * L, L)] = jnp.zeros((L,), jnp.float32)
        for i in range(128 // L):
            ones_v[pl.ds(i * L, L)] = jnp.ones((L,), jnp.float32)
        ld_ei = pltpu.async_copy(ei_hbm, ei_v, sem)
        zero_push = pltpu.async_copy(zeros_v, c_sh, sem_z)
        ld_ei.wait()
        idx_refs = (idx0, idx1, idx2)
        for j in range(3):
            for i in range(128 // L):
                off = j * 128 + i * L
                sv = ei_v[0, pl.ds(off, L)]
                dv = ei_v[1, pl.ds(off, L)]
                idx_refs[j][pl.ds(i * L, L)] = dv * N + sv
        zero_push.wait()
        cps = [pltpu.async_copy(ones_v, c_sh.at[idx_refs[j]], sem, add=True)
               for j in range(3)]
        for cp in cps:
            cp.wait()
        pltpu.sync_copy(c_sh, out_hbm)


def _sc_counts(edge_index):
    mesh = plsc.VectorSubcoreMesh(core_axis_name="c", subcore_axis_name="s",
                                  num_cores=1)
    return pl.kernel(
        _sc_counts_body,
        out_type=jax.ShapeDtypeStruct((N * N,), jnp.float32),
        mesh=mesh,
        scratch_types=[
            pltpu.VMEM((2, E), jnp.int32),
            pltpu.VMEM((128,), jnp.int32),
            pltpu.VMEM((128,), jnp.int32),
            pltpu.VMEM((128,), jnp.int32),
            pltpu.VMEM((128,), jnp.float32),
            pltpu.VMEM((N * N,), jnp.float32),
            pltpu.VMEM_SHARED((N * N,), jnp.float32),
            pltpu.SemaphoreType.DMA,
            pltpu.SemaphoreType.DMA,
        ],
    )(edge_index)


def _mm(a, b):
    return jnp.dot(a, b, preferred_element_type=jnp.float32,
                   precision=lax.Precision.HIGHEST)


def _elu(v):
    return jnp.where(v > 0, v, jnp.exp(v) - 1.0)


def _tc_pre_body(x_ref, w1_ref, f1_ref, f1b_ref, f2_ref, f2b_ref,
                 p0_ref, p1_ref, p2_ref, wc2_ref, bc_ref):
    x = x_ref[:, :]
    p0_ref[:, :] = _mm(x, w1_ref[0])
    p1_ref[:, :] = _mm(x, w1_ref[1])
    p2_ref[:, :] = _mm(x, w1_ref[2])
    f1T = jnp.transpose(f1_ref[:, :], (1, 0))
    f2T = jnp.transpose(f2_ref[:, :], (1, 0))

    def _col(row_ref, n):
        i0 = lax.broadcasted_iota(jnp.int32, (n, n), 0)
        i1 = lax.broadcasted_iota(jnp.int32, (n, n), 1)
        m = (i0 == i1).astype(jnp.float32)
        return jnp.sum(m * jnp.broadcast_to(row_ref[:], (n, n)),
                       axis=1, keepdims=True)

    f1b = _col(f1b_ref, 64)
    f2b = _col(f2b_ref, 2)
    wc2_ref[:, :] = _mm(f2T, f1T)
    bc_ref[:, :] = _mm(f2T, f1b) + f2b


def _tc_pre(x, W1, fc1_w, fc1_b, fc2_w, fc2_b):
    NH = N * HID
    return pl.pallas_call(
        _tc_pre_body,
        out_shape=(
            jax.ShapeDtypeStruct((N, HID), jnp.float32),
            jax.ShapeDtypeStruct((N, HID), jnp.float32),
            jax.ShapeDtypeStruct((N, HID), jnp.float32),
            jax.ShapeDtypeStruct((2, NH), jnp.float32),
            jax.ShapeDtypeStruct((2, 1), jnp.float32),
        ),
    )(x, W1, fc1_w, fc1_b, fc2_w, fc2_b)


def _tc_body(c_ref, p0_ref, p1_ref, p2_ref, b1_ref, w2_ref, b2_ref,
             wc2_ref, bc_ref, out_ref):
    f32 = jnp.float32
    NN = N * N

    c_flat = jnp.broadcast_to(c_ref[:], (1, NN))
    uj = lax.broadcasted_iota(jnp.int32, (N, NN), 1)
    ud = lax.broadcasted_iota(jnp.int32, (N, NN), 0)
    U = ((uj // N) == ud).astype(f32) * jnp.broadcast_to(c_flat, (N, NN))
    vj = lax.broadcasted_iota(jnp.int32, (NN, N), 0)
    vs = lax.broadcasted_iota(jnp.int32, (NN, N), 1)
    V = ((vj % N) == vs).astype(f32)
    C = _mm(U, V)

    deg = jnp.sum(C, axis=0, keepdims=True)
    dinv = jnp.where(deg > 0, lax.rsqrt(jnp.where(deg > 0, deg, 1.0)), 0.0)
    S = -(C * jnp.transpose(dinv, (1, 0))) * dinv

    P0 = p0_ref[:, :]
    P1 = p1_ref[:, :]
    P2 = p2_ref[:, :]
    b1 = jnp.broadcast_to(b1_ref[:], (N, HID))
    h = _elu(P0 + _mm(S, P1) + 2.0 * _mm(S, _mm(S, P2)) - P2 + b1)

    Q0 = _mm(h, w2_ref[0])
    Q1 = _mm(h, w2_ref[1])
    Q2 = _mm(h, w2_ref[2])
    b2 = jnp.broadcast_to(b2_ref[:], (N, HID))
    g = _elu(Q0 + _mm(S, Q1) + 2.0 * _mm(S, _mm(S, Q2)) - Q2 + b2)

    NH = N * HID
    rk = lax.broadcasted_iota(jnp.int32, (NH, N), 0)
    rn = lax.broadcasted_iota(jnp.int32, (NH, N), 1)
    Rep = ((rk // HID) == rn).astype(f32)
    Gr = _mm(Rep, g)
    fk = lax.broadcasted_iota(jnp.int32, (NH, HID), 0)
    ff = lax.broadcasted_iota(jnp.int32, (NH, HID), 1)
    sel = ((fk % HID) == ff).astype(f32)
    gcol = jnp.sum(Gr * sel, axis=1, keepdims=True)

    v2 = _mm(wc2_ref[:, :], gcol) + bc_ref[:, :]

    m = jnp.max(v2)
    lse = m + jnp.log(jnp.sum(jnp.exp(v2 - m)))
    out_ref[:, :] = jnp.transpose(v2 - lse, (1, 0))


def _tc_tail(c_flat, p0, p1, p2, b1, W2, b2, wc2, bc):
    return pl.pallas_call(
        _tc_body,
        out_shape=jax.ShapeDtypeStruct((1, 2), jnp.float32),
    )(c_flat, p0, p1, p2, b1, W2, b2, wc2, bc)


@jax.jit
def _run(x, edge_index, W1, b1, W2, b2, fc1_w, fc1_b, fc2_w, fc2_b):
    c_flat = _sc_counts(edge_index)
    p0, p1, p2, wc2, bc = _tc_pre(x, W1, fc1_w, fc1_b, fc2_w, fc2_b)
    return _tc_tail(c_flat, p0, p1, p2, b1, W2, b2, wc2, bc)


def kernel(x, edge_index, W1, b1, W2, b2, fc1_w, fc1_b, fc2_w, fc2_b):
    return _run(x, edge_index, W1, b1, W2, b2, fc1_w, fc1_b, fc2_w, fc2_b)

# --- scband reference (transcript-rebuilt; emitter-appended) ---
"""Pipeline reference for scband-cheb-conv-test-5729486372945 (READ-ONLY COPY).

The authoritative reference and input builder live on the scoring server;
editing this copy changes nothing except your own understanding.
"""

import jax, jax.numpy as jnp
import numpy as np

N = 24
NUM_FEATURES = 128
NUM_CLASSES = 2
E = 384
K = 3
HID = 8


def cheb_conv(x, edge_index, W, b):
    # Faithful PyG ChebConv with normalization='sym', lambda_max=2.0.
    # L = I - D^{-1/2} A D^{-1/2}; L_hat = 2L/lambda_max - I = -D^{-1/2} A D^{-1/2}
    # (the +1 diagonal from get_laplacian and the -1 self-loop cancel).
    src = edge_index[0]
    dst = edge_index[1]
    n = x.shape[0]
    ew = jnp.ones((src.shape[0],), dtype=x.dtype)
    deg = jnp.zeros((n,), dtype=x.dtype).at[src].add(ew)
    dinv = jnp.where(deg > 0, jax.lax.rsqrt(jnp.where(deg > 0, deg, 1.0)), 0.0)
    norm = -dinv[src] * ew * dinv[dst]

    def matvec(h):
        return jnp.zeros_like(h).at[dst].add(norm[:, None] * h[src])

    Tx0 = x
    out = Tx0 @ W[0]
    Tx1 = matvec(Tx0)
    out = out + Tx1 @ W[1]
    Tx2 = 2.0 * matvec(Tx1) - Tx0
    out = out + Tx2 @ W[2]
    return out + b


def setup_inputs(seed: int = 0) -> dict:
    key = jax.random.key(seed)
    ks = jax.random.split(key, 12)
    x = jax.random.normal(ks[0], (N, NUM_FEATURES), dtype=jnp.float32)
    edge_index = jax.random.randint(ks[1], (2, E), 0, N, dtype=jnp.int32)
    s1 = 1.0 / np.sqrt(NUM_FEATURES)
    W1 = jax.random.uniform(ks[2], (K, NUM_FEATURES, HID), dtype=jnp.float32, minval=-s1, maxval=s1)
    b1 = jnp.zeros((HID,), dtype=jnp.float32)
    s2 = 1.0 / np.sqrt(HID)
    W2 = jax.random.uniform(ks[3], (K, HID, HID), dtype=jnp.float32, minval=-s2, maxval=s2)
    b2 = jnp.zeros((HID,), dtype=jnp.float32)
    s3 = 1.0 / np.sqrt(192)
    fc1_w = jax.random.uniform(ks[4], (192, 64), dtype=jnp.float32, minval=-s3, maxval=s3)
    fc1_b = jax.random.uniform(ks[5], (64,), dtype=jnp.float32, minval=-s3, maxval=s3)
    s4 = 1.0 / np.sqrt(64)
    fc2_w = jax.random.uniform(ks[6], (64, NUM_CLASSES), dtype=jnp.float32, minval=-s4, maxval=s4)
    fc2_b = jax.random.uniform(ks[7], (NUM_CLASSES,), dtype=jnp.float32, minval=-s4, maxval=s4)
    return {"x": x, "edge_index": edge_index, "W1": W1, "b1": b1, "W2": W2, "b2": b2,
            "fc1_w": fc1_w, "fc1_b": fc1_b, "fc2_w": fc2_w, "fc2_b": fc2_b}


def reference(x, edge_index, W1, b1, W2, b2, fc1_w, fc1_b, fc2_w, fc2_b):
    h = jax.nn.elu(cheb_conv(x, edge_index, W1, b1))
    h = jax.nn.elu(cheb_conv(h, edge_index, W2, b2))
    v = h.reshape(-1)              # [192]
    v = v @ fc1_w + fc1_b          # [64]
    v = v @ fc2_w + fc2_b          # [2]
    return jax.nn.log_softmax(v.reshape(1, 2), axis=1)

if __name__ == "__main__":
    import jax
    _d = setup_inputs()
    print(jax.jit(kernel)(*tuple(_d.values())))

</pallas_src>

<mosaic_0001>
#map = affine_map<(d0, d1) -> (0, 0)>
#map1 = affine_map<(d0, d1) -> (0)>
module attributes {stable_mosaic.version = 14 : i64} {
  func.func @_sc_counts_body(%arg0: i32, %arg1: i32, %arg2: memref<2x384xi32, #tpu.memory_space<hbm>>, %arg3: memref<576xf32, #tpu.memory_space<hbm>>, %arg4: memref<2x384xi32, #tpu.memory_space<vmem>>, %arg5: memref<128xi32, #tpu.memory_space<vmem>>, %arg6: memref<128xi32, #tpu.memory_space<vmem>>, %arg7: memref<128xi32, #tpu.memory_space<vmem>>, %arg8: memref<128xf32, #tpu.memory_space<vmem>>, %arg9: memref<576xf32, #tpu.memory_space<vmem>>, %arg10: memref<576xf32, #tpu.memory_space<vmem_shared>>, %arg11: memref<!tpu.dma_semaphore, #tpu.memory_space<semaphore_mem>>, %arg12: memref<!tpu.dma_semaphore, #tpu.memory_space<semaphore_mem>>) attributes {dimension_semantics = [#tpu.dimension_semantics<core_parallel>, #tpu.dimension_semantics<subcore_parallel>], iteration_bounds = array<i64: 1, 16>, scalar_prefetch = 0 : i64, scratch_operands = 9 : i64, tpu.core_type = #tpu.core_type<sc_vector_subcore>, window_params = [{transform_indices = #map}, {transform_indices = #map1}]} {
    %eq3A = arith.constant 0 : i32
    %eq3A_0 = arith.cmpi eq, %arg1, %eq3A : i32
    %convert_element_type3A = arith.extui %eq3A_0 : i1 to i32
    %cond3A = arith.constant 0 : i32
    %cond3A_1 = arith.cmpi ne, %convert_element_type3A, %cond3A : i32
    scf.if %cond3A_1 {
      %broadcast_in_dim3A = arith.constant 0.000000e+00 : f32
      %broadcast_in_dim3A_2 = vector.broadcast %broadcast_in_dim3A : f32 to vector<16xf32>
      %swap3A = arith.constant 0 : index
      %swap3A_3 = tpu.vector_load %arg9[%swap3A] {strides = array<i32>} : memref<576xf32, #tpu.memory_space<vmem>>, vector<16xf32>,
      %swap3A_4 = vector.shape_cast %swap3A_3 : vector<16xf32> to vector<16xf32>
      %swap3A_5 = vector.shape_cast %broadcast_in_dim3A_2 : vector<16xf32> to vector<16xf32>
      tpu.vector_store %arg9[%swap3A], %swap3A_5 {strides = array<i32>} : memref<576xf32, #tpu.memory_space<vmem>>, vector<16xf32>,
      %broadcast_in_dim3A_6 = arith.constant 0.000000e+00 : f32
      %broadcast_in_dim3A_7 = vector.broadcast %broadcast_in_dim3A_6 : f32 to vector<16xf32>
      %swap3A_8 = arith.constant 16 : index
      %swap3A_9 = tpu.vector_load %arg9[%swap3A_8] {strides = array<i32>} : memref<576xf32, #tpu.memory_space<vmem>>, vector<16xf32>,
      %swap3A_10 = vector.shape_cast %swap3A_9 : vector<16xf32> to vector<16xf32>
      %swap3A_11 = vector.shape_cast %broadcast_in_dim3A_7 : vector<16xf32> to vector<16xf32>
      tpu.vector_store %arg9[%swap3A_8], %swap3A_11 {strides = array<i32>} : memref<576xf32, #tpu.memory_space<vmem>>, vector<16xf32>,
      %broadcast_in_dim3A_12 = arith.constant 0.000000e+00 : f32
      %broadcast_in_dim3A_13 = vector.broadcast %broadcast_in_dim3A_12 : f32 to vector<16xf32>
      %swap3A_14 = arith.constant 32 : index
      %swap3A_15 = tpu.vector_load %arg9[%swap3A_14] {strides = array<i32>} : memref<576xf32, #tpu.memory_space<vmem>>, vector<16xf32>,
      %swap3A_16 = vector.shape_cast %swap3A_15 : vector<16xf32> to vector<16xf32>
      %swap3A_17 = vector.shape_cast %broadcast_in_dim3A_13 : vector<16xf32> to vector<16xf32>
      tpu.vector_store %arg9[%swap3A_14], %swap3A_17 {strides = array<i32>} : memref<576xf32, #tpu.memory_space<vmem>>, vector<16xf32>,
      %broadcast_in_dim3A_18 = arith.constant 0.000000e+00 : f32
      %broadcast_in_dim3A_19 = vector.broadcast %broadcast_in_dim3A_18 : f32 to vector<16xf32>
      %swap3A_20 = arith.constant 48 : index
      %swap3A_21 = tpu.vector_load %arg9[%swap3A_20] {strides = array<i32>} : memref<576xf32, #tpu.memory_space<vmem>>, vector<16xf32>,
      %swap3A_22 = vector.shape_cast %swap3A_21 : vector<16xf32> to vector<16xf32>
      %swap3A_23 = vector.shape_cast %broadcast_in_dim3A_19 : vector<16xf32> to vector<16xf32>
      tpu.vector_store %arg9[%swap3A_20], %swap3A_23 {strides = array<i32>} : memref<576xf32, #tpu.memory_space<vmem>>, vector<16xf32>,
      %broadcast_in_dim3A_24 = arith.constant 0.000000e+00 : f32
      %broadcast_in_dim3A_25 = vector.broadcast %broadcast_in_dim3A_24 : f32 to vector<16xf32>
      %swap3A_26 = arith.constant 64 : index
      %swap3A_27 = tpu.vector_load %arg9[%swap3A_26] {strides = array<i32>} : memref<576xf32, #tpu.memory_space<vmem>>, vector<16xf32>,
      %swap3A_28 = vector.shape_cast %swap3A_27 : vector<16xf32> to vector<16xf32>
      %swap3A_29 = vector.shape_cast %broadcast_in_dim3A_25 : vector<16xf32> to vector<16xf32>
      tpu.vector_store %arg9[%swap3A_26], %swap3A_29 {strides = array<i32>} : memref<576xf32, #tpu.memory_space<vmem>>, vector<16xf32>,
      %broadcast_in_dim3A_30 = arith.constant 0.000000e+00 : f32
      %broadcast_in_dim3A_31 = vector.broadcast %broadcast_in_dim3A_30 : f32 to vector<16xf32>
      %swap3A_32 = arith.constant 80 : index
      %swap3A_33 = tpu.vector_load %arg9[%swap3A_32] {strides = array<i32>} : memref<576xf32, #tpu.memory_space<vmem>>, vector<16xf32>,
      %swap3A_34 = vector.shape_cast %swap3A_33 : vector<16xf32> to vector<16xf32>
      %swap3A_35 = vector.shape_cast %broadcast_in_dim3A_31 : vector<16xf32> to vector<16xf32>
      tpu.vector_store %arg9[%swap3A_32], %swap3A_35 {strides = array<i32>} : memref<576xf32, #tpu.memory_space<vmem>>, vector<16xf32>,
      %broadcast_in_dim3A_36 = arith.constant 0.000000e+00 : f32
      %broadcast_in_dim3A_37 = vector.broadcast %broadcast_in_dim3A_36 : f32 to vector<16xf32>
      %swap3A_38 = arith.constant 96 : index
      %swap3A_39 = tpu.vector_load %arg9[%swap3A_38] {strides = array<i32>} : memref<576xf32, #tpu.memory_space<vmem>>, vector<16xf32>,
      %swap3A_40 = vector.shape_cast %swap3A_39 : vector<16xf32> to vector<16xf32>
      %swap3A_41 = vector.shape_cast %broadcast_in_dim3A_37 : vector<16xf32> to vector<16xf32>
      tpu.vector_store %arg9[%swap3A_38], %swap3A_41 {strides = array<i32>} : memref<576xf32, #tpu.memory_space<vmem>>, vector<16xf32>,
      %broadcast_in_dim3A_42 = arith.constant 0.000000e+00 : f32
      %broadcast_in_dim3A_43 = vector.broadcast %broadcast_in_dim3A_42 : f32 to vector<16xf32>
      %swap3A_44 = arith.constant 112 : index
      %swap3A_45 = tpu.vector_load %arg9[%swap3A_44] {strides = array<i32>} : memref<576xf32, #tpu.memory_space<vmem>>, vector<16xf32>,
      %swap3A_46 = vector.shape_cast %swap3A_45 : vector<16xf32> to vector<16xf32>
      %swap3A_47 = vector.shape_cast %broadcast_in_dim3A_43 : vector<16xf32> to vector<16xf32>
      tpu.vector_store %arg9[%swap3A_44], %swap3A_47 {strides = array<i32>} : memref<576xf32, #tpu.memory_space<vmem>>, vector<16xf32>,
      %broadcast_in_dim3A_48 = arith.constant 0.000000e+00 : f32
      %broadcast_in_dim3A_49 = vector.broadcast %broadcast_in_dim3A_48 : f32 to vector<16xf32>
      %swap3A_50 = arith.constant 128 : index
      %swap3A_51 = tpu.vector_load %arg9[%swap3A_50] {strides = array<i32>} : memref<576xf32, #tpu.memory_space<vmem>>, vector<16xf32>,
      %swap3A_52 = vector.shape_cast %swap3A_51 : vector<16xf32> to vector<16xf32>
      %swap3A_53 = vector.shape_cast %broadcast_in_dim3A_49 : vector<16xf32> to vector<16xf32>
      tpu.vector_store %arg9[%swap3A_50], %swap3A_53 {strides = array<i32>} : memref<576xf32, #tpu.memory_space<vmem>>, vector<16xf32>,
      %broadcast_in_dim3A_54 = arith.constant 0.000000e+00 : f32
      %broadcast_in_dim3A_55 = vector.broadcast %broadcast_in_dim3A_54 : f32 to vector<16xf32>
      %swap3A_56 = arith.constant 144 : index
      %swap3A_57 = tpu.vector_load %arg9[%swap3A_56] {strides = array<i32>} : memref<576xf32, #tpu.memory_space<vmem>>, vector<16xf32>,
      %swap3A_58 = vector.shape_cast %swap3A_57 : vector<16xf32> to vector<16xf32>
      %swap3A_59 = vector.shape_cast %broadcast_in_dim3A_55 : vector<16xf32> to vector<16xf32>
      tpu.vector_store %arg9[%swap3A_56], %swap3A_59 {strides = array<i32>} : memref<576xf32, #tpu.memory_space<vmem>>, vector<16xf32>,
      %broadcast_in_dim3A_60 = arith.constant 0.000000e+00 : f32
      %broadcast_in_dim3A_61 = vector.broadcast %broadcast_in_dim3A_60 : f32 to vector<16xf32>
      %swap3A_62 = arith.constant 160 : index
      %swap3A_63 = tpu.vector_load %arg9[%swap3A_62] {strides = array<i32>} : memref<576xf32, #tpu.memory_space<vmem>>, vector<16xf32>,
      %swap3A_64 = vector.shape_cast %swap3A_63 : vector<16xf32> to vector<16xf32>
      %swap3A_65 = vector.shape_cast %broadcast_in_dim3A_61 : vector<16xf32> to vector<16xf32>
      tpu.vector_store %arg9[%swap3A_62], %swap3A_65 {strides = array<i32>} : memref<576xf32, #tpu.memory_space<vmem>>, vector<16xf32>,
      %broadcast_in_dim3A_66 = arith.constant 0.000000e+00 : f32
      %broadcast_in_dim3A_67 = vector.broadcast %broadcast_in_dim3A_66 : f32 to vector<16xf32>
      %swap3A_68 = arith.constant 176 : index
      %swap3A_69 = tpu.vector_load %arg9[%swap3A_68] {strides = array<i32>} : memref<576xf32, #tpu.memory_space<vmem>>, vector<16xf32>,
      %swap3A_70 = vector.shape_cast %swap3A_69 : vector<16xf32> to vector<16xf32>
      %swap3A_71 = vector.shape_cast %broadcast_in_dim3A_67 : vector<16xf32> to vector<16xf32>
      tpu.vector_store %arg9[%swap3A_68], %swap3A_71 {strides = array<i32>} : memref<576xf32, #tpu.memory_space<vmem>>, vector<16xf32>,
      %broadcast_in_dim3A_72 = arith.constant 0.000000e+00 : f32
      %broadcast_in_dim3A_73 = vector.broadcast %broadcast_in_dim3A_72 : f32 to vector<16xf32>
      %swap3A_74 = arith.constant 192 : index
      %swap3A_75 = tpu.vector_load %arg9[%swap3A_74] {strides = array<i32>} : memref<576xf32, #tpu.memory_space<vmem>>, vector<16xf32>,
      %swap3A_76 = vector.shape_cast %swap3A_75 : vector<16xf32> to vector<16xf32>
      %swap3A_77 = vector.shape_cast %broadcast_in_dim3A_73 : vector<16xf32> to vector<16xf32>
      tpu.vector_store %arg9[%swap3A_74], %swap3A_77 {strides = array<i32>} : memref<576xf32, #tpu.memory_space<vmem>>, vector<16xf32>,
      %broadcast_in_dim3A_78 = arith.constant 0.000000e+00 : f32
      %broadcast_in_dim3A_79 = vector.broadcast %broadcast_in_dim3A_78 : f32 to vector<16xf32>
      %swap3A_80 = arith.constant 208 : index
      %swap3A_81 = tpu.vector_load %arg9[%swap3A_80] {strides = array<i32>} : memref<576xf32, #tpu.memory_space<vmem>>, vector<16xf32>,
      %swap3A_82 = vector.shape_cast %swap3A_81 : vector<16xf32> to vector<16xf32>
      %swap3A_83 = vector.shape_cast %broadcast_in_dim3A_79 : vector<16xf32> to vector<16xf32>
      tpu.vector_store %arg9[%swap3A_80], %swap3A_83 {strides = array<i32>} : memref<576xf32, #tpu.memory_space<vmem>>, vector<16xf32>,
      %broadcast_in_dim3A_84 = arith.constant 0.000000e+00 : f32
      %broadcast_in_dim3A_85 = vector.broadcast %broadcast_in_dim3A_84 : f32 to vector<16xf32>
      %swap3A_86 = arith.constant 224 : index
      %swap3A_87 = tpu.vector_load %arg9[%swap3A_86] {strides = array<i32>} : memref<576xf32, #tpu.memory_space<vmem>>, vector<16xf32>,
      %swap3A_88 = vector.shape_cast %swap3A_87 : vector<16xf32> to vector<16xf32>
      %swap3A_89 = vector.shape_cast %broadcast_in_dim3A_85 : vector<16xf32> to vector<16xf32>
      tpu.vector_store %arg9[%swap3A_86], %swap3A_89 {strides = array<i32>} : memref<576xf32, #tpu.memory_space<vmem>>, vector<16xf32>,
      %broadcast_in_dim3A_90 = arith.constant 0.000000e+00 : f32
      %broadcast_in_dim3A_91 = vector.broadcast %broadcast_in_dim3A_90 : f32 to vector<16xf32>
      %swap3A_92 = arith.constant 240 : index
      %swap3A_93 = tpu.vector_load %arg9[%swap3A_92] {strides = array<i32>} : memref<576xf32, #tpu.memory_space<vmem>>, vector<16xf32>,
      %swap3A_94 = vector.shape_cast %swap3A_93 : vector<16xf32> to vector<16xf32>
      %swap3A_95 = vector.shape_cast %broadcast_in_dim3A_91 : vector<16xf32> to vector<16xf32>
      tpu.vector_store %arg9[%swap3A_92], %swap3A_95 {strides = array<i32>} : memref<576xf32, #tpu.memory_space<vmem>>, vector<16xf32>,
      %broadcast_in_dim3A_96 = arith.constant 0.000000e+00 : f32
      %broadcast_in_dim3A_97 = vector.broadcast %broadcast_in_dim3A_96 : f32 to vector<16xf32>
      %swap3A_98 = arith.constant 256 : index
      %swap3A_99 = tpu.vector_load %arg9[%swap3A_98] {strides = array<i32>} : memref<576xf32, #tpu.memory_space<vmem>>, vector<16xf32>,
      %swap3A_100 = vector.shape_cast %swap3A_99 : vector<16xf32> to vector<16xf32>
      %swap3A_101 = vector.shape_cast %broadcast_in_dim3A_97 : vector<16xf32> to vector<16xf32>
      tpu.vector_store %arg9[%swap3A_98], %swap3A_101 {strides = array<i32>} : memref<576xf32, #tpu.memory_space<vmem>>, vector<16xf32>,
      %broadcast_in_dim3A_102 = arith.constant 0.000000e+00 : f32
      %broadcast_in_dim3A_103 = vector.broadcast %broadcast_in_dim3A_102 : f32 to vector<16xf32>
      %swap3A_104 = arith.constant 272 : index
      %swap3A_105 = tpu.vector_load %arg9[%swap3A_104] {strides = array<i32>} : memref<576xf32, #tpu.memory_space<vmem>>, vector<16xf32>,
      %swap3A_106 = vector.shape_cast %swap3A_105 : vector<16xf32> to vector<16xf32>
      %swap3A_107 = vector.shape_cast %broadcast_in_dim3A_103 : vector<16xf32> to vector<16xf32>
      tpu.vector_store %arg9[%swap3A_104], %swap3A_107 {strides = array<i32>} : memref<576xf32, #tpu.memory_space<vmem>>, vector<16xf32>,
      %broadcast_in_dim3A_108 = arith.constant 0.000000e+00 : f32
      %broadcast_in_dim3A_109 = vector.broadcast %broadcast_in_dim3A_108 : f32 to vector<16xf32>
      %swap3A_110 = arith.constant 288 : index
      %swap3A_111 = tpu.vector_load %arg9[%swap3A_110] {strides = array<i32>} : memref<576xf32, #tpu.memory_space<vmem>>, vector<16xf32>,
      %swap3A_112 = vector.shape_cast %swap3A_111 : vector<16xf32> to vector<16xf32>
      %swap3A_113 = vector.shape_cast %broadcast_in_dim3A_109 : vector<16xf32> to vector<16xf32>
      tpu.vector_store %arg9[%swap3A_110], %swap3A_113 {strides = array<i32>} : memref<576xf32, #tpu.memory_space<vmem>>, vector<16xf32>,
      %broadcast_in_dim3A_114 = arith.constant 0.000000e+00 : f32
      %broadcast_in_dim3A_115 = vector.broadcast %broadcast_in_dim3A_114 : f32 to vector<16xf32>
      %swap3A_116 = arith.constant 304 : index
      %swap3A_117 = tpu.vector_load %arg9[%swap3A_116] {strides = array<i32>} : memref<576xf32, #tpu.memory_space<vmem>>, vector<16xf32>,
      %swap3A_118 = vector.shape_cast %swap3A_117 : vector<16xf32> to vector<16xf32>
      %swap3A_119 = vector.shape_cast %broadcast_in_dim3A_115 : vector<16xf32> to vector<16xf32>
      tpu.vector_store %arg9[%swap3A_116], %swap3A_119 {strides = array<i32>} : memref<576xf32, #tpu.memory_space<vmem>>, vector<16xf32>,
      %broadcast_in_dim3A_120 = arith.constant 0.000000e+00 : f32
      %broadcast_in_dim3A_121 = vector.broadcast %broadcast_in_dim3A_120 : f32 to vector<16xf32>
      %swap3A_122 = arith.constant 320 : index
      %swap3A_123 = tpu.vector_load %arg9[%swap3A_122] {strides = array<i32>} : memref<576xf32, #tpu.memory_space<vmem>>, vector<16xf32>,
      %swap3A_124 = vector.shape_cast %swap3A_123 : vector<16xf32> to vector<16xf32>
      %swap3A_125 = vector.shape_cast %broadcast_in_dim3A_121 : vector<16xf32> to vector<16xf32>
      tpu.vector_store %arg9[%swap3A_122], %swap3A_125 {strides = array<i32>} : memref<576xf32, #tpu.memory_space<vmem>>, vector<16xf32>,
      %broadcast_in_dim3A_126 = arith.constant 0.000000e+00 : f32
      %broadcast_in_dim3A_127 = vector.broadcast %broadcast_in_dim3A_126 : f32 to vector<16xf32>
      %swap3A_128 = arith.constant 336 : index
      %swap3A_129 = tpu.vector_load %arg9[%swap3A_128] {strides = array<i32>} : memref<576xf32, #tpu.memory_space<vmem>>, vector<16xf32>,
      %swap3A_130 = vector.shape_cast %swap3A_129 : vector<16xf32> to vector<16xf32>
      %swap3A_131 = vector.shape_cast %broadcast_in_dim3A_127 : vector<16xf32> to vector<16xf32>
      tpu.vector_store %arg9[%swap3A_128], %swap3A_131 {strides = array<i32>} : memref<576xf32, #tpu.memory_space<vmem>>, vector<16xf32>,
      %broadcast_in_dim3A_132 = arith.constant 0.000000e+00 : f32
      %broadcast_in_dim3A_133 = vector.broadcast %broadcast_in_dim3A_132 : f32 to vector<16xf32>
      %swap3A_134 = arith.constant 352 : index
      %swap3A_135 = tpu.vector_load %arg9[%swap3A_134] {strides = array<i32>} : memref<576xf32, #tpu.memory_space<vmem>>, vector<16xf32>,
      %swap3A_136 = vector.shape_cast %swap3A_135 : vector<16xf32> to vector<16xf32>
      %swap3A_137 = vector.shape_cast %broadcast_in_dim3A_133 : vector<16xf32> to vector<16xf32>
      tpu.vector_store %arg9[%swap3A_134], %swap3A_137 {strides = array<i32>} : memref<576xf32, #tpu.memory_space<vmem>>, vector<16xf32>,
      %broadcast_in_dim3A_138 = arith.constant 0.000000e+00 : f32
      %broadcast_in_dim3A_139 = vector.broadcast %broadcast_in_dim3A_138 : f32 to vector<16xf32>
      %swap3A_140 = arith.constant 368 : index
      %swap3A_141 = tpu.vector_load %arg9[%swap3A_140] {strides = array<i32>} : memref<576xf32, #tpu.memory_space<vmem>>, vector<16xf32>,
      %swap3A_142 = vector.shape_cast %swap3A_141 : vector<16xf32> to vector<16xf32>
      %swap3A_143 = vector.shape_cast %broadcast_in_dim3A_139 : vector<16xf32> to vector<16xf32>
      tpu.vector_store %arg9[%swap3A_140], %swap3A_143 {strides = array<i32>} : memref<576xf32, #tpu.memory_space<vmem>>, vector<16xf32>,
      %broadcast_in_dim3A_144 = arith.constant 0.000000e+00 : f32
      %broadcast_in_dim3A_145 = vector.broadcast %broadcast_in_dim3A_144 : f32 to vector<16xf32>
      %swap3A_146 = arith.constant 384 : index
      %swap3A_147 = tpu.vector_load %arg9[%swap3A_146] {strides = array<i32>} : memref<576xf32, #tpu.memory_space<vmem>>, vector<16xf32>,
      %swap3A_148 = vector.shape_cast %swap3A_147 : vector<16xf32> to vector<16xf32>
      %swap3A_149 = vector.shape_cast %broadcast_in_dim3A_145 : vector<16xf32> to vector<16xf32>
      tpu.vector_store %arg9[%swap3A_146], %swap3A_149 {strides = array<i32>} : memref<576xf32, #tpu.memory_space<vmem>>, vector<16xf32>,
      %broadcast_in_dim3A_150 = arith.constant 0.000000e+00 : f32
      %broadcast_in_dim3A_151 = vector.broadcast %broadcast_in_dim3A_150 : f32 to vector<16xf32>
      %swap3A_152 = arith.constant 400 : index
      %swap3A_153 = tpu.vector_load %arg9[%swap3A_152] {strides = array<i32>} : memref<576xf32, #tpu.memory_space<vmem>>, vector<16xf32>,
      %swap3A_154 = vector.shape_cast %swap3A_153 : vector<16xf32> to vector<16xf32>
      %swap3A_155 = vector.shape_cast %broadcast_in_dim3A_151 : vector<16xf32> to vector<16xf32>
      tpu.vector_store %arg9[%swap3A_152], %swap3A_155 {strides = array<i32>} : memref<576xf32, #tpu.memory_space<vmem>>, vector<16xf32>,
      %broadcast_in_dim3A_156 = arith.constant 0.000000e+00 : f32
      %broadcast_in_dim3A_157 = vector.broadcast %broadcast_in_dim3A_156 : f32 to vector<16xf32>
      %swap3A_158 = arith.constant 416 : index
      %swap3A_159 = tpu.vector_load %arg9[%swap3A_158] {strides = array<i32>} : memref<576xf32, #tpu.memory_space<vmem>>, vector<16xf32>,
      %swap3A_160 = vector.shape_cast %swap3A_159 : vector<16xf32> to vector<16xf32>
      %swap3A_161 = vector.shape_cast %broadcast_in_dim3A_157 : vector<16xf32> to vector<16xf32>
      tpu.vector_store %arg9[%swap3A_158], %swap3A_161 {strides = array<i32>} : memref<576xf32, #tpu.memory_space<vmem>>, vector<16xf32>,
      %broadcast_in_dim3A_162 = arith.constant 0.000000e+00 : f32
      %broadcast_in_dim3A_163 = vector.broadcast %broadcast_in_dim3A_162 : f32 to vector<16xf32>
      %swap3A_164 = arith.constant 432 : index
      %swap3A_165 = tpu.vector_load %arg9[%swap3A_164] {strides = array<i32>} : memref<576xf32, #tpu.memory_space<vmem>>, vector<16xf32>,
      %swap3A_166 = vector.shape_cast %swap3A_165 : vector<16xf32> to vector<16xf32>
      %swap3A_167 = vector.shape_cast %broadcast_in_dim3A_163 : vector<16xf32> to vector<16xf32>
      tpu.vector_store %arg9[%swap3A_164], %swap3A_167 {strides = array<i32>} : memref<576xf32, #tpu.memory_space<vmem>>, vector<16xf32>,
      %broadcast_in_dim3A_168 = arith.constant 0.000000e+00 : f32
      %broadcast_in_dim3A_169 = vector.broadcast %broadcast_in_dim3A_168 : f32 to vector<16xf32>
      %swap3A_170 = arith.constant 448 : index
      %swap3A_171 = tpu.vector_load %arg9[%swap3A_170] {strides = array<i32>} : memref<576xf32, #tpu.memory_space<vmem>>, vector<16xf32>,
      %swap3A_172 = vector.shape_cast %swap3A_171 : vector<16xf32> to vector<16xf32>
      %swap3A_173 = vector.shape_cast %broadcast_in_dim3A_169 : vector<16xf32> to vector<16xf32>
      tpu.vector_store %arg9[%swap3A_170], %swap3A_173 {strides = array<i32>} : memref<576xf32, #tpu.memory_space<vmem>>, vector<16xf32>,
      %broadcast_in_dim3A_174 = arith.constant 0.000000e+00 : f32
      %broadcast_in_dim3A_175 = vector.broadcast %broadcast_in_dim3A_174 : f32 to vector<16xf32>
      %swap3A_176 = arith.constant 464 : index
      %swap3A_177 = tpu.vector_load %arg9[%swap3A_176] {strides = array<i32>} : memref<576xf32, #tpu.memory_space<vmem>>, vector<16xf32>,
      %swap3A_178 = vector.shape_cast %swap3A_177 : vector<16xf32> to vector<16xf32>
      %swap3A_179 = vector.shape_cast %broadcast_in_dim3A_175 : vector<16xf32> to vector<16xf32>
      tpu.vector_store %arg9[%swap3A_176], %swap3A_179 {strides = array<i32>} : memref<576xf32, #tpu.memory_space<vmem>>, vector<16xf32>,
      %broadcast_in_dim3A_180 = arith.constant 0.000000e+00 : f32
      %broadcast_in_dim3A_181 = vector.broadcast %broadcast_in_dim3A_180 : f32 to vector<16xf32>
      %swap3A_182 = arith.constant 480 : index
      %swap3A_183 = tpu.vector_load %arg9[%swap3A_182] {strides = array<i32>} : memref<576xf32, #tpu.memory_space<vmem>>, vector<16xf32>,
      %swap3A_184 = vector.shape_cast %swap3A_183 : vector<16xf32> to vector<16xf32>
      %swap3A_185 = vector.shape_cast %broadcast_in_dim3A_181 : vector<16xf32> to vector<16xf32>
      tpu.vector_store %arg9[%swap3A_182], %swap3A_185 {strides = array<i32>} : memref<576xf32, #tpu.memory_space<vmem>>, vector<16xf32>,
      %broadcast_in_dim3A_186 = arith.constant 0.000000e+00 : f32
      %broadcast_in_dim3A_187 = vector.broadcast %broadcast_in_dim3A_186 : f32 to vector<16xf32>
      %swap3A_188 = arith.constant 496 : index
      %swap3A_189 = tpu.vector_load %arg9[%swap3A_188] {strides = array<i32>} : memref<576xf32, #tpu.memory_space<vmem>>, vector<16xf32>,
      %swap3A_190 = vector.shape_cast %swap3A_189 : vector<16xf32> to vector<16xf32>
      %swap3A_191 = vector.shape_cast %broadcast_in_dim3A_187 : vector<16xf32> to vector<16xf32>
      tpu.vector_store %arg9[%swap3A_188], %swap3A_191 {strides = array<i32>} : memref<576xf32, #tpu.memory_space<vmem>>, vector<16xf32>,
      %broadcast_in_dim3A_192 = arith.constant 0.000000e+00 : f32
      %broadcast_in_dim3A_193 = vector.broadcast %broadcast_in_dim3A_192 : f32 to vector<16xf32>
      %swap3A_194 = arith.constant 512 : index
      %swap3A_195 = tpu.vector_load %arg9[%swap3A_194] {strides = array<i32>} : memref<576xf32, #tpu.memory_space<vmem>>, vector<16xf32>,
      %swap3A_196 = vector.shape_cast %swap3A_195 : vector<16xf32> to vector<16xf32>
      %swap3A_197 = vector.shape_cast %broadcast_in_dim3A_193 : vector<16xf32> to vector<16xf32>
      tpu.vector_store %arg9[%swap3A_194], %swap3A_197 {strides = array<i32>} : memref<576xf32, #tpu.memory_space<vmem>>, vector<16xf32>,
      %broadcast_in_dim3A_198 = arith.constant 0.000000e+00 : f32
      %broadcast_in_dim3A_199 = vector.broadcast %broadcast_in_dim3A_198 : f32 to vector<16xf32>
      %swap3A_200 = arith.constant 528 : index
      %swap3A_201 = tpu.vector_load %arg9[%swap3A_200] {strides = array<i32>} : memref<576xf32, #tpu.memory_space<vmem>>, vector<16xf32>,
      %swap3A_202 = vector.shape_cast %swap3A_201 : vector<16xf32> to vector<16xf32>
      %swap3A_203 = vector.shape_cast %broadcast_in_dim3A_199 : vector<16xf32> to vector<16xf32>
      tpu.vector_store %arg9[%swap3A_200], %swap3A_203 {strides = array<i32>} : memref<576xf32, #tpu.memory_space<vmem>>, vector<16xf32>,
      %broadcast_in_dim3A_204 = arith.constant 0.000000e+00 : f32
      %broadcast_in_dim3A_205 = vector.broadcast %broadcast_in_dim3A_204 : f32 to vector<16xf32>
      %swap3A_206 = arith.constant 544 : index
      %swap3A_207 = tpu.vector_load %arg9[%swap3A_206] {strides = array<i32>} : memref<576xf32, #tpu.memory_space<vmem>>, vector<16xf32>,
      %swap3A_208 = vector.shape_cast %swap3A_207 : vector<16xf32> to vector<16xf32>
      %swap3A_209 = vector.shape_cast %broadcast_in_dim3A_205 : vector<16xf32> to vector<16xf32>
      tpu.vector_store %arg9[%swap3A_206], %swap3A_209 {strides = array<i32>} : memref<576xf32, #tpu.memory_space<vmem>>, vector<16xf32>,
      %broadcast_in_dim3A_210 = arith.constant 0.000000e+00 : f32
      %broadcast_in_dim3A_211 = vector.broadcast %broadcast_in_dim3A_210 : f32 to vector<16xf32>
      %swap3A_212 = arith.constant 560 : index
      %swap3A_213 = tpu.vector_load %arg9[%swap3A_212] {strides = array<i32>} : memref<576xf32, #tpu.memory_space<vmem>>, vector<16xf32>,
      %swap3A_214 = vector.shape_cast %swap3A_213 : vector<16xf32> to vector<16xf32>
      %swap3A_215 = vector.shape_cast %broadcast_in_dim3A_211 : vector<16xf32> to vector<16xf32>
      tpu.vector_store %arg9[%swap3A_212], %swap3A_215 {strides = array<i32>} : memref<576xf32, #tpu.memory_space<vmem>>, vector<16xf32>,
      %broadcast_in_dim3A_216 = arith.constant 1.000000e+00 : f32
      %broadcast_in_dim3A_217 = vector.broadcast %broadcast_in_dim3A_216 : f32 to vector<16xf32>
      %swap3A_218 = arith.constant 0 : index
      %swap3A_219 = tpu.vector_load %arg8[%swap3A_218] {strides = array<i32>} : memref<128xf32, #tpu.memory_space<vmem>>, vector<16xf32>,
      %swap3A_220 = vector.shape_cast %swap3A_219 : vector<16xf32> to vector<16xf32>
      %swap3A_221 = vector.shape_cast %broadcast_in_dim3A_217 : vector<16xf32> to vector<16xf32>
      tpu.vector_store %arg8[%swap3A_218], %swap3A_221 {strides = array<i32>} : memref<128xf32, #tpu.memory_space<vmem>>, vector<16xf32>,
      %broadcast_in_dim3A_222 = arith.constant 1.000000e+00 : f32
      %broadcast_in_dim3A_223 = vector.broadcast %broadcast_in_dim3A_222 : f32 to vector<16xf32>
      %swap3A_224 = arith.constant 16 : index
      %swap3A_225 = tpu.vector_load %arg8[%swap3A_224] {strides = array<i32>} : memref<128xf32, #tpu.memory_space<vmem>>, vector<16xf32>,
      %swap3A_226 = vector.shape_cast %swap3A_225 : vector<16xf32> to vector<16xf32>
      %swap3A_227 = vector.shape_cast %broadcast_in_dim3A_223 : vector<16xf32> to vector<16xf32>
      tpu.vector_store %arg8[%swap3A_224], %swap3A_227 {strides = array<i32>} : memref<128xf32, #tpu.memory_space<vmem>>, vector<16xf32>,
      %broadcast_in_dim3A_228 = arith.constant 1.000000e+00 : f32
      %broadcast_in_dim3A_229 = vector.broadcast %broadcast_in_dim3A_228 : f32 to vector<16xf32>
      %swap3A_230 = arith.constant 32 : index
      %swap3A_231 = tpu.vector_load %arg8[%swap3A_230] {strides = array<i32>} : memref<128xf32, #tpu.memory_space<vmem>>, vector<16xf32>,
      %swap3A_232 = vector.shape_cast %swap3A_231 : vector<16xf32> to vector<16xf32>
      %swap3A_233 = vector.shape_cast %broadcast_in_dim3A_229 : vector<16xf32> to vector<16xf32>
      tpu.vector_store %arg8[%swap3A_230], %swap3A_233 {strides = array<i32>} : memref<128xf32, #tpu.memory_space<vmem>>, vector<16xf32>,
      %broadcast_in_dim3A_234 = arith.constant 1.000000e+00 : f32
      %broadcast_in_dim3A_235 = vector.broadcast %broadcast_in_dim3A_234 : f32 to vector<16xf32>
      %swap3A_236 = arith.constant 48 : index
      %swap3A_237 = tpu.vector_load %arg8[%swap3A_236] {strides = array<i32>} : memref<128xf32, #tpu.memory_space<vmem>>, vector<16xf32>,
      %swap3A_238 = vector.shape_cast %swap3A_237 : vector<16xf32> to vector<16xf32>
      %swap3A_239 = vector.shape_cast %broadcast_in_dim3A_235 : vector<16xf32> to vector<16xf32>
      tpu.vector_store %arg8[%swap3A_236], %swap3A_239 {strides = array<i32>} : memref<128xf32, #tpu.memory_space<vmem>>, vector<16xf32>,
      %broadcast_in_dim3A_240 = arith.constant 1.000000e+00 : f32
      %broadcast_in_dim3A_241 = vector.broadcast %broadcast_in_dim3A_240 : f32 to vector<16xf32>
      %swap3A_242 = arith.constant 64 : index
      %swap3A_243 = tpu.vector_load %arg8[%swap3A_242] {strides = array<i32>} : memref<128xf32, #tpu.memory_space<vmem>>, vector<16xf32>,
      %swap3A_244 = vector.shape_cast %swap3A_243 : vector<16xf32> to vector<16xf32>
      %swap3A_245 = vector.shape_cast %broadcast_in_dim3A_241 : vector<16xf32> to vector<16xf32>
      tpu.vector_store %arg8[%swap3A_242], %swap3A_245 {strides = array<i32>} : memref<128xf32, #tpu.memory_space<vmem>>, vector<16xf32>,
      %broadcast_in_dim3A_246 = arith.constant 1.000000e+00 : f32
      %broadcast_in_dim3A_247 = vector.broadcast %broadcast_in_dim3A_246 : f32 to vector<16xf32>
      %swap3A_248 = arith.constant 80 : index
      %swap3A_249 = tpu.vector_load %arg8[%swap3A_248] {strides = array<i32>} : memref<128xf32, #tpu.memory_space<vmem>>, vector<16xf32>,
      %swap3A_250 = vector.shape_cast %swap3A_249 : vector<16xf32> to vector<16xf32>
      %swap3A_251 = vector.shape_cast %broadcast_in_dim3A_247 : vector<16xf32> to vector<16xf32>
      tpu.vector_store %arg8[%swap3A_248], %swap3A_251 {strides = array<i32>} : memref<128xf32, #tpu.memory_space<vmem>>, vector<16xf32>,
      %broadcast_in_dim3A_252 = arith.constant 1.000000e+00 : f32
      %broadcast_in_dim3A_253 = vector.broadcast %broadcast_in_dim3A_252 : f32 to vector<16xf32>
      %swap3A_254 = arith.constant 96 : index
      %swap3A_255 = tpu.vector_load %arg8[%swap3A_254] {strides = array<i32>} : memref<128xf32, #tpu.memory_space<vmem>>, vector<16xf32>,
      %swap3A_256 = vector.shape_cast %swap3A_255 : vector<16xf32> to vector<16xf32>
      %swap3A_257 = vector.shape_cast %broadcast_in_dim3A_253 : vector<16xf32> to vector<16xf32>
      tpu.vector_store %arg8[%swap3A_254], %swap3A_257 {strides = array<i32>} : memref<128xf32, #tpu.memory_space<vmem>>, vector<16xf32>,
      %broadcast_in_dim3A_258 = arith.constant 1.000000e+00 : f32
      %broadcast_in_dim3A_259 = vector.broadcast %broadcast_in_dim3A_258 : f32 to vector<16xf32>
      %swap3A_260 = arith.constant 112 : index
      %swap3A_261 = tpu.vector_load %arg8[%swap3A_260] {strides = array<i32>} : memref<128xf32, #tpu.memory_space<vmem>>, vector<16xf32>,
      %swap3A_262 = vector.shape_cast %swap3A_261 : vector<16xf32> to vector<16xf32>
      %swap3A_263 = vector.shape_cast %broadcast_in_dim3A_259 : vector<16xf32> to vector<16xf32>
      tpu.vector_store %arg8[%swap3A_260], %swap3A_263 {strides = array<i32>} : memref<128xf32, #tpu.memory_space<vmem>>, vector<16xf32>,
      tpu.enqueue_dma source(%arg2 : memref<2x384xi32, #tpu.memory_space<hbm>>) target(%arg4 : memref<2x384xi32, #tpu.memory_space<vmem>>) target_semaphore(%arg11 : memref<!tpu.dma_semaphore, #tpu.memory_space<semaphore_mem>>)
      tpu.enqueue_dma source(%arg9 : memref<576xf32, #tpu.memory_space<vmem>>) target(%arg10 : memref<576xf32, #tpu.memory_space<vmem_shared>>) target_semaphore(%arg12 : memref<!tpu.dma_semaphore, #tpu.memory_space<semaphore_mem>>)
      tpu.wait_dma2 semaphore(%arg11 : memref<!tpu.dma_semaphore, #tpu.memory_space<semaphore_mem>>) src(%arg2 : memref<2x384xi32, #tpu.memory_space<hbm>>) dst(%arg4 : memref<2x384xi32, #tpu.memory_space<vmem>>)
      %get3A = arith.constant 0 : i32
      %get3A_264 = arith.index_cast %get3A : i32 to index
      %get3A_265 = arith.constant 0 : index
      %get3A_266 = tpu.vector_load %arg4[%get3A_264, %get3A_265] {strides = array<i32>} : memref<2x384xi32, #tpu.memory_space<vmem>>, vector<1x16xi32>,
      %get3A_267 = vector.shape_cast %get3A_266 : vector<1x16xi32> to vector<16xi32>
      %get3A_268 = arith.constant 1 : i32
      %get3A_269 = arith.index_cast %get3A_268 : i32 to index
      %get3A_270 = arith.constant 0 : index
      %get3A_271 = tpu.vector_load %arg4[%get3A_269, %get3A_270] {strides = array<i32>} : memref<2x384xi32, #tpu.memory_space<vmem>>, vector<1x16xi32>,
      %get3A_272 = vector.shape_cast %get3A_271 : vector<1x16xi32> to vector<16xi32>
      %mul3A = arith.constant 24 : i32
      %mul3A_273 = vector.broadcast %mul3A : i32 to vector<16xi32>
      %mul3A_274 = arith.muli %get3A_272, %mul3A_273 : vector<16xi32>
      %add3A = arith.addi %mul3A_274, %get3A_267 : vector<16xi32>
      %swap3A_275 = arith.constant 0 : index
      %swap3A_276 = tpu.vector_load %arg5[%swap3A_275] {strides = array<i32>} : memref<128xi32, #tpu.memory_space<vmem>>, vector<16xi32>,
      %swap3A_277 = vector.shape_cast %swap3A_276 : vector<16xi32> to vector<16xi32>
      %swap3A_278 = vector.shape_cast %add3A : vector<16xi32> to vector<16xi32>
      tpu.vector_store %arg5[%swap3A_275], %swap3A_278 {strides = array<i32>} : memref<128xi32, #tpu.memory_space<vmem>>, vector<16xi32>,
      %get3A_279 = arith.constant 0 : i32
      %get3A_280 = arith.index_cast %get3A_279 : i32 to index
      %get3A_281 = arith.constant 16 : index
      %get3A_282 = tpu.vector_load %arg4[%get3A_280, %get3A_281] {strides = array<i32>} : memref<2x384xi32, #tpu.memory_space<vmem>>, vector<1x16xi32>,
      %get3A_283 = vector.shape_cast %get3A_282 : vector<1x16xi32> to vector<16xi32>
      %get3A_284 = arith.constant 1 : i32
      %get3A_285 = arith.index_cast %get3A_284 : i32 to index
      %get3A_286 = arith.constant 16 : index
      %get3A_287 = tpu.vector_load %arg4[%get3A_285, %get3A_286] {strides = array<i32>} : memref<2x384xi32, #tpu.memory_space<vmem>>, vector<1x16xi32>,
      %get3A_288 = vector.shape_cast %get3A_287 : vector<1x16xi32> to vector<16xi32>
      %mul3A_289 = arith.constant 24 : i32
      %mul3A_290 = vector.broadcast %mul3A_289 : i32 to vector<16xi32>
      %mul3A_291 = arith.muli %get3A_288, %mul3A_290 : vector<16xi32>
      %add3A_292 = arith.addi %mul3A_291, %get3A_283 : vector<16xi32>
      %swap3A_293 = arith.constant 16 : index
      %swap3A_294 = tpu.vector_load %arg5[%swap3A_293] {strides = array<i32>} : memref<128xi32, #tpu.memory_space<vmem>>, vector<16xi32>,
      %swap3A_295 = vector.shape_cast %swap3A_294 : vector<16xi32> to vector<16xi32>
      %swap3A_296 = vector.shape_cast %add3A_292 : vector<16xi32> to vector<16xi32>
      tpu.vector_store %arg5[%swap3A_293], %swap3A_296 {strides = array<i32>} : memref<128xi32, #tpu.memory_space<vmem>>, vector<16xi32>,
      %get3A_297 = arith.constant 0 : i32
      %get3A_298 = arith.index_cast %get3A_297 : i32 to index
      %get3A_299 = arith.constant 32 : index
      %get3A_300 = tpu.vector_load %arg4[%get3A_298, %get3A_299] {strides = array<i32>} : memref<2x384xi32, #tpu.memory_space<vmem>>, vector<1x16xi32>,
      %get3A_301 = vector.shape_cast %get3A_300 : vector<1x16xi32> to vector<16xi32>
      %get3A_302 = arith.constant 1 : i32
      %get3A_303 = arith.index_cast %get3A_302 : i32 to index
      %get3A_304 = arith.constant 32 : index
      %get3A_305 = tpu.vector_load %arg4[%get3A_303, %get3A_304] {strides = array<i32>} : memref<2x384xi32, #tpu.memory_space<vmem>>, vector<1x16xi32>,
      %get3A_306 = vector.shape_cast %get3A_305 : vector<1x16xi32> to vector<16xi32>
      %mul3A_307 = arith.constant 24 : i32
      %mul3A_308 = vector.broadcast %mul3A_307 : i32 to vector<16xi32>
      %mul3A_309 = arith.muli %get3A_306, %mul3A_308 : vector<16xi32>
      %add3A_310 = arith.addi %mul3A_309, %get3A_301 : vector<16xi32>
      %swap3A_311 = arith.constant 32 : index
      %swap3A_312 = tpu.vector_load %arg5[%swap3A_311] {strides = array<i32>} : memref<128xi32, #tpu.memory_space<vmem>>, vector<16xi32>,
      %swap3A_313 = vector.shape_cast %swap3A_312 : vector<16xi32> to vector<16xi32>
      %swap3A_314 = vector.shape_cast %add3A_310 : vector<16xi32> to vector<16xi32>
      tpu.vector_store %arg5[%swap3A_311], %swap3A_314 {strides = array<i32>} : memref<128xi32, #tpu.memory_space<vmem>>, vector<16xi32>,
      %get3A_315 = arith.constant 0 : i32
      %get3A_316 = arith.index_cast %get3A_315 : i32 to index
      %get3A_317 = arith.constant 48 : index
      %get3A_318 = tpu.vector_load %arg4[%get3A_316, %get3A_317] {strides = array<i32>} : memref<2x384xi32, #tpu.memory_space<vmem>>, vector<1x16xi32>,
      %get3A_319 = vector.shape_cast %get3A_318 : vector<1x16xi32> to vector<16xi32>
      %get3A_320 = arith.constant 1 : i32
      %get3A_321 = arith.index_cast %get3A_320 : i32 to index
      %get3A_322 = arith.constant 48 : index
      %get3A_323 = tpu.vector_load %arg4[%get3A_321, %get3A_322] {strides = array<i32>} : memref<2x384xi32, #tpu.memory_space<vmem>>, vector<1x16xi32>,
      %get3A_324 = vector.shape_cast %get3A_323 : vector<1x16xi32> to vector<16xi32>
      %mul3A_325 = arith.constant 24 : i32
      %mul3A_326 = vector.broadcast %mul3A_325 : i32 to vector<16xi32>
      %mul3A_327 = arith.muli %get3A_324, %mul3A_326 : vector<16xi32>
      %add3A_328 = arith.addi %mul3A_327, %get3A_319 : vector<16xi32>
      %swap3A_329 = arith.constant 48 : index
      %swap3A_330 = tpu.vector_load %arg5[%swap3A_329] {strides = array<i32>} : memref<128xi32, #tpu.memory_space<vmem>>, vector<16xi32>,
      %swap3A_331 = vector.shape_cast %swap3A_330 : vector<16xi32> to vector<16xi32>
      %swap3A_332 = vector.shape_cast %add3A_328 : vector<16xi32> to vector<16xi32>
      tpu.vector_store %arg5[%swap3A_329], %swap3A_332 {strides = array<i32>} : memref<128xi32, #tpu.memory_space<vmem>>, vector<16xi32>,
      %get3A_333 = arith.constant 0 : i32
      %get3A_334 = arith.index_cast %get3A_333 : i32 to index
      %get3A_335 = arith.constant 64 : index
      %get3A_336 = tpu.vector_load %arg4[%get3A_334, %get3A_335] {strides = array<i32>} : memref<2x384xi32, #tpu.memory_space<vmem>>, vector<1x16xi32>,
      %get3A_337 = vector.shape_cast %get3A_336 : vector<1x16xi32> to vector<16xi32>
      %get3A_338 = arith.constant 1 : i32
      %get3A_339 = arith.index_cast %get3A_338 : i32 to index
      %get3A_340 = arith.constant 64 : index
      %get3A_341 = tpu.vector_load %arg4[%get3A_339, %get3A_340] {strides = array<i32>} : memref<2x384xi32, #tpu.memory_space<vmem>>, vector<1x16xi32>,
      %get3A_342 = vector.shape_cast %get3A_341 : vector<1x16xi32> to vector<16xi32>
      %mul3A_343 = arith.constant 24 : i32
      %mul3A_344 = vector.broadcast %mul3A_343 : i32 to vector<16xi32>
      %mul3A_345 = arith.muli %get3A_342, %mul3A_344 : vector<16xi32>
      %add3A_346 = arith.addi %mul3A_345, %get3A_337 : vector<16xi32>
      %swap3A_347 = arith.constant 64 : index
      %swap3A_348 = tpu.vector_load %arg5[%swap3A_347] {strides = array<i32>} : memref<128xi32, #tpu.memory_space<vmem>>, vector<16xi32>,
      %swap3A_349 = vector.shape_cast %swap3A_348 : vector<16xi32> to vector<16xi32>
      %swap3A_350 = vector.shape_cast %add3A_346 : vector<16xi32> to vector<16xi32>
      tpu.vector_store %arg5[%swap3A_347], %swap3A_350 {strides = array<i32>} : memref<128xi32, #tpu.memory_space<vmem>>, vector<16xi32>,
      %get3A_351 = arith.constant 0 : i32
      %get3A_352 = arith.index_cast %get3A_351 : i32 to index
      %get3A_353 = arith.constant 80 : index
      %get3A_354 = tpu.vector_load %arg4[%get3A_352, %get3A_353] {strides = array<i32>} : memref<2x384xi32, #tpu.memory_space<vmem>>, vector<1x16xi32>,
      %get3A_355 = vector.shape_cast %get3A_354 : vector<1x16xi32> to vector<16xi32>
      %get3A_356 = arith.constant 1 : i32
      %get3A_357 = arith.index_cast %get3A_356 : i32 to index
      %get3A_358 = arith.constant 80 : index
      %get3A_359 = tpu.vector_load %arg4[%get3A_357, %get3A_358] {strides = array<i32>} : memref<2x384xi32, #tpu.memory_space<vmem>>, vector<1x16xi32>,
      %get3A_360 = vector.shape_cast %get3A_359 : vector<1x16xi32> to vector<16xi32>
      %mul3A_361 = arith.constant 24 : i32
      %mul3A_362 = vector.broadcast %mul3A_361 : i32 to vector<16xi32>
      %mul3A_363 = arith.muli %get3A_360, %mul3A_362 : vector<16xi32>
      %add3A_364 = arith.addi %mul3A_363, %get3A_355 : vector<16xi32>
      %swap3A_365 = arith.constant 80 : index
      %swap3A_366 = tpu.vector_load %arg5[%swap3A_365] {strides = array<i32>} : memref<128xi32, #tpu.memory_space<vmem>>, vector<16xi32>,
      %swap3A_367 = vector.shape_cast %swap3A_366 : vector<16xi32> to vector<16xi32>
      %swap3A_368 = vector.shape_cast %add3A_364 : vector<16xi32> to vector<16xi32>
      tpu.vector_store %arg5[%swap3A_365], %swap3A_368 {strides = array<i32>} : memref<128xi32, #tpu.memory_space<vmem>>, vector<16xi32>,
      %get3A_369 = arith.constant 0 : i32
      %get3A_370 = arith.index_cast %get3A_369 : i32 to index
      %get3A_371 = arith.constant 96 : index
      %get3A_372 = tpu.vector_load %arg4[%get3A_370, %get3A_371] {strides = array<i32>} : memref<2x384xi32, #tpu.memory_space<vmem>>, vector<1x16xi32>,
      %get3A_373 = vector.shape_cast %get3A_372 : vector<1x16xi32> to vector<16xi32>
      %get3A_374 = arith.constant 1 : i32
      %get3A_375 = arith.index_cast %get3A_374 : i32 to index
      %get3A_376 = arith.constant 96 : index
      %get3A_377 = tpu.vector_load %arg4[%get3A_375, %get3A_376] {strides = array<i32>} : memref<2x384xi32, #tpu.memory_space<vmem>>, vector<1x16xi32>,
      %get3A_378 = vector.shape_cast %get3A_377 : vector<1x16xi32> to vector<16xi32>
      %mul3A_379 = arith.constant 24 : i32
      %mul3A_380 = vector.broadcast %mul3A_379 : i32 to vector<16xi32>
      %mul3A_381 = arith.muli %get3A_378, %mul3A_380 : vector<16xi32>
      %add3A_382 = arith.addi %mul3A_381, %get3A_373 : vector<16xi32>
      %swap3A_383 = arith.constant 96 : index
      %swap3A_384 = tpu.vector_load %arg5[%swap3A_383] {strides = array<i32>} : memref<128xi32, #tpu.memory_space<vmem>>, vector<16xi32>,
      %swap3A_385 = vector.shape_cast %swap3A_384 : vector<16xi32> to vector<16xi32>
      %swap3A_386 = vector.shape_cast %add3A_382 : vector<16xi32> to vector<16xi32>
      tpu.vector_store %arg5[%swap3A_383], %swap3A_386 {strides = array<i32>} : memref<128xi32, #tpu.memory_space<vmem>>, vector<16xi32>,
      %get3A_387 = arith.constant 0 : i32
      %get3A_388 = arith.index_cast %get3A_387 : i32 to index
      %get3A_389 = arith.constant 112 : index
      %get3A_390 = tpu.vector_load %arg4[%get3A_388, %get3A_389] {strides = array<i32>} : memref<2x384xi32, #tpu.memory_space<vmem>>, vector<1x16xi32>,
      %get3A_391 = vector.shape_cast %get3A_390 : vector<1x16xi32> to vector<16xi32>
      %get3A_392 = arith.constant 1 : i32
      %get3A_393 = arith.index_cast %get3A_392 : i32 to index
      %get3A_394 = arith.constant 112 : index
      %get3A_395 = tpu.vector_load %arg4[%get3A_393, %get3A_394] {strides = array<i32>} : memref<2x384xi32, #tpu.memory_space<vmem>>, vector<1x16xi32>,
      %get3A_396 = vector.shape_cast %get3A_395 : vector<1x16xi32> to vector<16xi32>
      %mul3A_397 = arith.constant 24 : i32
      %mul3A_398 = vector.broadcast %mul3A_397 : i32 to vector<16xi32>
      %mul3A_399 = arith.muli %get3A_396, %mul3A_398 : vector<16xi32>
      %add3A_400 = arith.addi %mul3A_399, %get3A_391 : vector<16xi32>
      %swap3A_401 = arith.constant 112 : index
      %swap3A_402 = tpu.vector_load %arg5[%swap3A_401] {strides = array<i32>} : memref<128xi32, #tpu.memory_space<vmem>>, vector<16xi32>,
      %swap3A_403 = vector.shape_cast %swap3A_402 : vector<16xi32> to vector<16xi32>
      %swap3A_404 = vector.shape_cast %add3A_400 : vector<16xi32> to vector<16xi32>
      tpu.vector_store %arg5[%swap3A_401], %swap3A_404 {strides = array<i32>} : memref<128xi32, #tpu.memory_space<vmem>>, vector<16xi32>,
      %get3A_405 = arith.constant 0 : i32
      %get3A_406 = arith.index_cast %get3A_405 : i32 to index
      %get3A_407 = arith.constant 128 : index
      %get3A_408 = tpu.vector_load %arg4[%get3A_406, %get3A_407] {strides = array<i32>} : memref<2x384xi32, #tpu.memory_space<vmem>>, vector<1x16xi32>,
      %get3A_409 = vector.shape_cast %get3A_408 : vector<1x16xi32> to vector<16xi32>
      %get3A_410 = arith.constant 1 : i32
      %get3A_411 = arith.index_cast %get3A_410 : i32 to index
      %get3A_412 = arith.constant 128 : index
      %get3A_413 = tpu.vector_load %arg4[%get3A_411, %get3A_412] {strides = array<i32>} : memref<2x384xi32, #tpu.memory_space<vmem>>, vector<1x16xi32>,
      %get3A_414 = vector.shape_cast %get3A_413 : vector<1x16xi32> to vector<16xi32>
      %mul3A_415 = arith.constant 24 : i32
      %mul3A_416 = vector.broadcast %mul3A_415 : i32 to vector<16xi32>
      %mul3A_417 = arith.muli %get3A_414, %mul3A_416 : vector<16xi32>
      %add3A_418 = arith.addi %mul3A_417, %get3A_409 : vector<16xi32>
      %swap3A_419 = arith.constant 0 : index
      %swap3A_420 = tpu.vector_load %arg6[%swap3A_419] {strides = array<i32>} : memref<128xi32, #tpu.memory_space<vmem>>, vector<16xi32>,
      %swap3A_421 = vector.shape_cast %swap3A_420 : vector<16xi32> to vector<16xi32>
      %swap3A_422 = vector.shape_cast %add3A_418 : vector<16xi32> to vector<16xi32>
      tpu.vector_store %arg6[%swap3A_419], %swap3A_422 {strides = array<i32>} : memref<128xi32, #tpu.memory_space<vmem>>, vector<16xi32>,
      %get3A_423 = arith.constant 0 : i32
      %get3A_424 = arith.index_cast %get3A_423 : i32 to index
      %get3A_425 = arith.constant 144 : index
      %get3A_426 = tpu.vector_load %arg4[%get3A_424, %get3A_425] {strides = array<i32>} : memref<2x384xi32, #tpu.memory_space<vmem>>, vector<1x16xi32>,
      %get3A_427 = vector.shape_cast %get3A_426 : vector<1x16xi32> to vector<16xi32>
      %get3A_428 = arith.constant 1 : i32
      %get3A_429 = arith.index_cast %get3A_428 : i32 to index
      %get3A_430 = arith.constant 144 : index
      %get3A_431 = tpu.vector_load %arg4[%get3A_429, %get3A_430] {strides = array<i32>} : memref<2x384xi32, #tpu.memory_space<vmem>>, vector<1x16xi32>,
      %get3A_432 = vector.shape_cast %get3A_431 : vector<1x16xi32> to vector<16xi32>
      %mul3A_433 = arith.constant 24 : i32
      %mul3A_434 = vector.broadcast %mul3A_433 : i32 to vector<16xi32>
      %mul3A_435 = arith.muli %get3A_432, %mul3A_434 : vector<16xi32>
      %add3A_436 = arith.addi %mul3A_435, %get3A_427 : vector<16xi32>
      %swap3A_437 = arith.constant 16 : index
      %swap3A_438 = tpu.vector_load %arg6[%swap3A_437] {strides = array<i32>} : memref<128xi32, #tpu.memory_space<vmem>>, vector<16xi32>,
      %swap3A_439 = vector.shape_cast %swap3A_438 : vector<16xi32> to vector<16xi32>
      %swap3A_440 = vector.shape_cast %add3A_436 : vector<16xi32> to vector<16xi32>
      tpu.vector_store %arg6[%swap3A_437], %swap3A_440 {strides = array<i32>} : memref<128xi32, #tpu.memory_space<vmem>>, vector<16xi32>,
      %get3A_441 = arith.constant 0 : i32
      %get3A_442 = arith.index_cast %get3A_441 : i32 to index
      %get3A_443 = arith.constant 160 : index
      %get3A_444 = tpu.vector_load %arg4[%get3A_442, %get3A_443] {strides = array<i32>} : memref<2x384xi32, #tpu.memory_space<vmem>>, vector<1x16xi32>,
      %get3A_445 = vector.shape_cast %get3A_444 : vector<1x16xi32> to vector<16xi32>
      %get3A_446 = arith.constant 1 : i32
      %get3A_447 = arith.index_cast %get3A_446 : i32 to index
      %get3A_448 = arith.constant 160 : index
      %get3A_449 = tpu.vector_load %arg4[%get3A_447, %get3A_448] {strides = array<i32>} : memref<2x384xi32, #tpu.memory_space<vmem>>, vector<1x16xi32>,
      %get3A_450 = vector.shape_cast %get3A_449 : vector<1x16xi32> to vector<16xi32>
      %mul3A_451 = arith.constant 24 : i32
      %mul3A_452 = vector.broadcast %mul3A_451 : i32 to vector<16xi32>
      %mul3A_453 = arith.muli %get3A_450, %mul3A_452 : vector<16xi32>
      %add3A_454 = arith.addi %mul3A_453, %get3A_445 : vector<16xi32>
      %swap3A_455 = arith.constant 32 : index
      %swap3A_456 = tpu.vector_load %arg6[%swap3A_455] {strides = array<i32>} : memref<128xi32, #tpu.memory_space<vmem>>, vector<16xi32>,
      %swap3A_457 = vector.shape_cast %swap3A_456 : vector<16xi32> to vector<16xi32>
      %swap3A_458 = vector.shape_cast %add3A_454 : vector<16xi32> to vector<16xi32>
      tpu.vector_store %arg6[%swap3A_455], %swap3A_458 {strides = array<i32>} : memref<128xi32, #tpu.memory_space<vmem>>, vector<16xi32>,
      %get3A_459 = arith.constant 0 : i32
      %get3A_460 = arith.index_cast %get3A_459 : i32 to index
      %get3A_461 = arith.constant 176 : index
      %get3A_462 = tpu.vector_load %arg4[%get3A_460, %get3A_461] {strides = array<i32>} : memref<2x384xi32, #tpu.memory_space<vmem>>, vector<1x16xi32>,
      %get3A_463 = vector.shape_cast %get3A_462 : vector<1x16xi32> to vector<16xi32>
      %get3A_464 = arith.constant 1 : i32
      %get3A_465 = arith.index_cast %get3A_464 : i32 to index
      %get3A_466 = arith.constant 176 : index
      %get3A_467 = tpu.vector_load %arg4[%get3A_465, %get3A_466] {strides = array<i32>} : memref<2x384xi32, #tpu.memory_space<vmem>>, vector<1x16xi32>,
      %get3A_468 = vector.shape_cast %get3A_467 : vector<1x16xi32> to vector<16xi32>
      %mul3A_469 = arith.constant 24 : i32
      %mul3A_470 = vector.broadcast %mul3A_469 : i32 to vector<16xi32>
      %mul3A_471 = arith.muli %get3A_468, %mul3A_470 : vector<16xi32>
      %add3A_472 = arith.addi %mul3A_471, %get3A_463 : vector<16xi32>
      %swap3A_473 = arith.constant 48 : index
      %swap3A_474 = tpu.vector_load %arg6[%swap3A_473] {strides = array<i32>} : memref<128xi32, #tpu.memory_space<vmem>>, vector<16xi32>,
      %swap3A_475 = vector.shape_cast %swap3A_474 : vector<16xi32> to vector<16xi32>
      %swap3A_476 = vector.shape_cast %add3A_472 : vector<16xi32> to vector<16xi32>
      tpu.vector_store %arg6[%swap3A_473], %swap3A_476 {strides = array<i32>} : memref<128xi32, #tpu.memory_space<vmem>>, vector<16xi32>,
      %get3A_477 = arith.constant 0 : i32
      %get3A_478 = arith.index_cast %get3A_477 : i32 to index
      %get3A_479 = arith.constant 192 : index
      %get3A_480 = tpu.vector_load %arg4[%get3A_478, %get3A_479] {strides = array<i32>} : memref<2x384xi32, #tpu.memory_space<vmem>>, vector<1x16xi32>,
      %get3A_481 = vector.shape_cast %get3A_480 : vector<1x16xi32> to vector<16xi32>
      %get3A_482 = arith.constant 1 : i32
      %get3A_483 = arith.index_cast %get3A_482 : i32 to index
      %get3A_484 = arith.constant 192 : index
      %get3A_485 = tpu.vector_load %arg4[%get3A_483, %get3A_484] {strides = array<i32>} : memref<2x384xi32, #tpu.memory_space<vmem>>, vector<1x16xi32>,
      %get3A_486 = vector.shape_cast %get3A_485 : vector<1x16xi32> to vector<16xi32>
      %mul3A_487 = arith.constant 24 : i32
      %mul3A_488 = vector.broadcast %mul3A_487 : i32 to vector<16xi32>
      %mul3A_489 = arith.muli %get3A_486, %mul3A_488 : vector<16xi32>
      %add3A_490 = arith.addi %mul3A_489, %get3A_481 : vector<16xi32>
      %swap3A_491 = arith.constant 64 : index
      %swap3A_492 = tpu.vector_load %arg6[%swap3A_491] {strides = array<i32>} : memref<128xi32, #tpu.memory_space<vmem>>, vector<16xi32>,
      %swap3A_493 = vector.shape_cast %swap3A_492 : vector<16xi32> to vector<16xi32>
      %swap3A_494 = vector.shape_cast %add3A_490 : vector<16xi32> to vector<16xi32>
      tpu.vector_store %arg6[%swap3A_491], %swap3A_494 {strides = array<i32>} : memref<128xi32, #tpu.memory_space<vmem>>, vector<16xi32>,
      %get3A_495 = arith.constant 0 : i32
      %get3A_496 = arith.index_cast %get3A_495 : i32 to index
      %get3A_497 = arith.constant 208 : index
      %get3A_498 = tpu.vector_load %arg4[%get3A_496, %get3A_497] {strides = array<i32>} : memref<2x384xi32, #tpu.memory_space<vmem>>, vector<1x16xi32>,
      %get3A_499 = vector.shape_cast %get3A_498 : vector<1x16xi32> to vector<16xi32>
      %get3A_500 = arith.constant 1 : i32
      %get3A_501 = arith.index_cast %get3A_500 : i32 to index
      %get3A_502 = arith.constant 208 : index
      %get3A_503 = tpu.vector_load %arg4[%get3A_501, %get3A_502] {strides = array<i32>} : memref<2x384xi32, #tpu.memory_space<vmem>>, vector<1x16xi32>,
      %get3A_504 = vector.shape_cast %get3A_503 : vector<1x16xi32> to vector<16xi32>
      %mul3A_505 = arith.constant 24 : i32
      %mul3A_506 = vector.broadcast %mul3A_505 : i32 to vector<16xi32>
      %mul3A_507 = arith.muli %get3A_504, %mul3A_506 : vector<16xi32>
      %add3A_508 = arith.addi %mul3A_507, %get3A_499 : vector<16xi32>
      %swap3A_509 = arith.constant 80 : index
      %swap3A_510 = tpu.vector_load %arg6[%swap3A_509] {strides = array<i32>} : memref<128xi32, #tpu.memory_space<vmem>>, vector<16xi32>,
      %swap3A_511 = vector.shape_cast %swap3A_510 : vector<16xi32> to vector<16xi32>
      %swap3A_512 = vector.shape_cast %add3A_508 : vector<16xi32> to vector<16xi32>
      tpu.vector_store %arg6[%swap3A_509], %swap3A_512 {strides = array<i32>} : memref<128xi32, #tpu.memory_space<vmem>>, vector<16xi32>,
      %get3A_513 = arith.constant 0 : i32
      %get3A_514 = arith.index_cast %get3A_513 : i32 to index
      %get3A_515 = arith.constant 224 : index
      %get3A_516 = tpu.vector_load %arg4[%get3A_514, %get3A_515] {strides = array<i32>} : memref<2x384xi32, #tpu.memory_space<vmem>>, vector<1x16xi32>,
      %get3A_517 = vector.shape_cast %get3A_516 : vector<1x16xi32> to vector<16xi32>
      %get3A_518 = arith.constant 1 : i32
      %get3A_519 = arith.index_cast %get3A_518 : i32 to index
      %get3A_520 = arith.constant 224 : index
      %get3A_521 = tpu.vector_load %arg4[%get3A_519, %get3A_520] {strides = array<i32>} : memref<2x384xi32, #tpu.memory_space<vmem>>, vector<1x16xi32>,
      %get3A_522 = vector.shape_cast %get3A_521 : vector<1x16xi32> to vector<16xi32>
      %mul3A_523 = arith.constant 24 : i32
      %mul3A_524 = vector.broadcast %mul3A_523 : i32 to vector<16xi32>
      %mul3A_525 = arith.muli %get3A_522, %mul3A_524 : vector<16xi32>
      %add3A_526 = arith.addi %mul3A_525, %get3A_517 : vector<16xi32>
      %swap3A_527 = arith.constant 96 : index
      %swap3A_528 = tpu.vector_load %arg6[%swap3A_527] {strides = array<i32>} : memref<128xi32, #tpu.memory_space<vmem>>, vector<16xi32>,
      %swap3A_529 = vector.shape_cast %swap3A_528 : vector<16xi32> to vector<16xi32>
      %swap3A_530 = vector.shape_cast %add3A_526 : vector<16xi32> to vector<16xi32>
      tpu.vector_store %arg6[%swap3A_527], %swap3A_530 {strides = array<i32>} : memref<128xi32, #tpu.memory_space<vmem>>, vector<16xi32>,
      %get3A_531 = arith.constant 0 : i32
      %get3A_532 = arith.index_cast %get3A_531 : i32 to index
      %get3A_533 = arith.constant 240 : index
      %get3A_534 = tpu.vector_load %arg4[%get3A_532, %get3A_533] {strides = array<i32>} : memref<2x384xi32, #tpu.memory_space<vmem>>, vector<1x16xi32>,
      %get3A_535 = vector.shape_cast %get3A_534 : vector<1x16xi32> to vector<16xi32>
      %get3A_536 = arith.constant 1 : i32
      %get3A_537 = arith.index_cast %get3A_536 : i32 to index
      %get3A_538 = arith.constant 240 : index
      %get3A_539 = tpu.vector_load %arg4[%get3A_537, %get3A_538] {strides = array<i32>} : memref<2x384xi32, #tpu.memory_space<vmem>>, vector<1x16xi32>,
      %get3A_540 = vector.shape_cast %get3A_539 : vector<1x16xi32> to vector<16xi32>
      %mul3A_541 = arith.constant 24 : i32
      %mul3A_542 = vector.broadcast %mul3A_541 : i32 to vector<16xi32>
      %mul3A_543 = arith.muli %get3A_540, %mul3A_542 : vector<16xi32>
      %add3A_544 = arith.addi %mul3A_543, %get3A_535 : vector<16xi32>
      %swap3A_545 = arith.constant 112 : index
      %swap3A_546 = tpu.vector_load %arg6[%swap3A_545] {strides = array<i32>} : memref<128xi32, #tpu.memory_space<vmem>>, vector<16xi32>,
      %swap3A_547 = vector.shape_cast %swap3A_546 : vector<16xi32> to vector<16xi32>
      %swap3A_548 = vector.shape_cast %add3A_544 : vector<16xi32> to vector<16xi32>
      tpu.vector_store %arg6[%swap3A_545], %swap3A_548 {strides = array<i32>} : memref<128xi32, #tpu.memory_space<vmem>>, vector<16xi32>,
      %get3A_549 = arith.constant 0 : i32
      %get3A_550 = arith.index_cast %get3A_549 : i32 to index
      %get3A_551 = arith.constant 256 : index
      %get3A_552 = tpu.vector_load %arg4[%get3A_550, %get3A_551] {strides = array<i32>} : memref<2x384xi32, #tpu.memory_space<vmem>>, vector<1x16xi32>,
      %get3A_553 = vector.shape_cast %get3A_552 : vector<1x16xi32> to vector<16xi32>
      %get3A_554 = arith.constant 1 : i32
      %get3A_555 = arith.index_cast %get3A_554 : i32 to index
      %get3A_556 = arith.constant 256 : index
      %get3A_557 = tpu.vector_load %arg4[%get3A_555, %get3A_556] {strides = array<i32>} : memref<2x384xi32, #tpu.memory_space<vmem>>, vector<1x16xi32>,
      %get3A_558 = vector.shape_cast %get3A_557 : vector<1x16xi32> to vector<16xi32>
      %mul3A_559 = arith.constant 24 : i32
      %mul3A_560 = vector.broadcast %mul3A_559 : i32 to vector<16xi32>
      %mul3A_561 = arith.muli %get3A_558, %mul3A_560 : vector<16xi32>
      %add3A_562 = arith.addi %mul3A_561, %get3A_553 : vector<16xi32>
      %swap3A_563 = arith.constant 0 : index
      %swap3A_564 = tpu.vector_load %arg7[%swap3A_563] {strides = array<i32>} : memref<128xi32, #tpu.memory_space<vmem>>, vector<16xi32>,
      %swap3A_565 = vector.shape_cast %swap3A_564 : vector<16xi32> to vector<16xi32>
      %swap3A_566 = vector.shape_cast %add3A_562 : vector<16xi32> to vector<16xi32>
      tpu.vector_store %arg7[%swap3A_563], %swap3A_566 {strides = array<i32>} : memref<128xi32, #tpu.memory_space<vmem>>, vector<16xi32>,
      %get3A_567 = arith.constant 0 : i32
      %get3A_568 = arith.index_cast %get3A_567 : i32 to index
      %get3A_569 = arith.constant 272 : index
      %get3A_570 = tpu.vector_load %arg4[%get3A_568, %get3A_569] {strides = array<i32>} : memref<2x384xi32, #tpu.memory_space<vmem>>, vector<1x16xi32>,
      %get3A_571 = vector.shape_cast %get3A_570 : vector<1x16xi32> to vector<16xi32>
      %get3A_572 = arith.constant 1 : i32
      %get3A_573 = arith.index_cast %get3A_572 : i32 to index
      %get3A_574 = arith.constant 272 : index
      %get3A_575 = tpu.vector_load %arg4[%get3A_573, %get3A_574] {strides = array<i32>} : memref<2x384xi32, #tpu.memory_space<vmem>>, vector<1x16xi32>,
      %get3A_576 = vector.shape_cast %get3A_575 : vector<1x16xi32> to vector<16xi32>
      %mul3A_577 = arith.constant 24 : i32
      %mul3A_578 = vector.broadcast %mul3A_577 : i32 to vector<16xi32>
      %mul3A_579 = arith.muli %get3A_576, %mul3A_578 : vector<16xi32>
      %add3A_580 = arith.addi %mul3A_579, %get3A_571 : vector<16xi32>
      %swap3A_581 = arith.constant 16 : index
      %swap3A_582 = tpu.vector_load %arg7[%swap3A_581] {strides = array<i32>} : memref<128xi32, #tpu.memory_space<vmem>>, vector<16xi32>,
      %swap3A_583 = vector.shape_cast %swap3A_582 : vector<16xi32> to vector<16xi32>
      %swap3A_584 = vector.shape_cast %add3A_580 : vector<16xi32> to vector<16xi32>
      tpu.vector_store %arg7[%swap3A_581], %swap3A_584 {strides = array<i32>} : memref<128xi32, #tpu.memory_space<vmem>>, vector<16xi32>,
      %get3A_585 = arith.constant 0 : i32
      %get3A_586 = arith.index_cast %get3A_585 : i32 to index
      %get3A_587 = arith.constant 288 : index
      %get3A_588 = tpu.vector_load %arg4[%get3A_586, %get3A_587] {strides = array<i32>} : memref<2x384xi32, #tpu.memory_space<vmem>>, vector<1x16xi32>,
      %get3A_589 = vector.shape_cast %get3A_588 : vector<1x16xi32> to vector<16xi32>
      %get3A_590 = arith.constant 1 : i32
      %get3A_591 = arith.index_cast %get3A_590 : i32 to index
      %get3A_592 = arith.constant 288 : index
      %get3A_593 = tpu.vector_load %arg4[%get3A_591, %get3A_592] {strides = array<i32>} : memref<2x384xi32, #tpu.memory_space<vmem>>, vector<1x16xi32>,
      %get3A_594 = vector.shape_cast %get3A_593 : vector<1x16xi32> to vector<16xi32>
      %mul3A_595 = arith.constant 24 : i32
      %mul3A_596 = vector.broadcast %mul3A_595 : i32 to vector<16xi32>
      %mul3A_597 = arith.muli %get3A_594, %mul3A_596 : vector<16xi32>
      %add3A_598 = arith.addi %mul3A_597, %get3A_589 : vector<16xi32>
      %swap3A_599 = arith.constant 32 : index
      %swap3A_600 = tpu.vector_load %arg7[%swap3A_599] {strides = array<i32>} : memref<128xi32, #tpu.memory_space<vmem>>, vector<16xi32>,
      %swap3A_601 = vector.shape_cast %swap3A_600 : vector<16xi32> to vector<16xi32>
      %swap3A_602 = vector.shape_cast %add3A_598 : vector<16xi32> to vector<16xi32>
      tpu.vector_store %arg7[%swap3A_599], %swap3A_602 {strides = array<i32>} : memref<128xi32, #tpu.memory_space<vmem>>, vector<16xi32>,
      %get3A_603 = arith.constant 0 : i32
      %get3A_604 = arith.index_cast %get3A_603 : i32 to index
      %get3A_605 = arith.constant 304 : index
      %get3A_606 = tpu.vector_load %arg4[%get3A_604, %get3A_605] {strides = array<i32>} : memref<2x384xi32, #tpu.memory_space<vmem>>, vector<1x16xi32>,
      %get3A_607 = vector.shape_cast %get3A_606 : vector<1x16xi32> to vector<16xi32>
      %get3A_608 = arith.constant 1 : i32
      %get3A_609 = arith.index_cast %get3A_608 : i32 to index
      %get3A_610 = arith.constant 304 : index
      %get3A_611 = tpu.vector_load %arg4[%get3A_609, %get3A_610] {strides = array<i32>} : memref<2x384xi32, #tpu.memory_space<vmem>>, vector<1x16xi32>,
      %get3A_612 = vector.shape_cast %get3A_611 : vector<1x16xi32> to vector<16xi32>
      %mul3A_613 = arith.constant 24 : i32
      %mul3A_614 = vector.broadcast %mul3A_613 : i32 to vector<16xi32>
      %mul3A_615 = arith.muli %get3A_612, %mul3A_614 : vector<16xi32>
      %add3A_616 = arith.addi %mul3A_615, %get3A_607 : vector<16xi32>
      %swap3A_617 = arith.constant 48 : index
      %swap3A_618 = tpu.vector_load %arg7[%swap3A_617] {strides = array<i32>} : memref<128xi32, #tpu.memory_space<vmem>>, vector<16xi32>,
      %swap3A_619 = vector.shape_cast %swap3A_618 : vector<16xi32> to vector<16xi32>
      %swap3A_620 = vector.shape_cast %add3A_616 : vector<16xi32> to vector<16xi32>
      tpu.vector_store %arg7[%swap3A_617], %swap3A_620 {strides = array<i32>} : memref<128xi32, #tpu.memory_space<vmem>>, vector<16xi32>,
      %get3A_621 = arith.constant 0 : i32
      %get3A_622 = arith.index_cast %get3A_621 : i32 to index
      %get3A_623 = arith.constant 320 : index
      %get3A_624 = tpu.vector_load %arg4[%get3A_622, %get3A_623] {strides = array<i32>} : memref<2x384xi32, #tpu.memory_space<vmem>>, vector<1x16xi32>,
      %get3A_625 = vector.shape_cast %get3A_624 : vector<1x16xi32> to vector<16xi32>
      %get3A_626 = arith.constant 1 : i32
      %get3A_627 = arith.index_cast %get3A_626 : i32 to index
      %get3A_628 = arith.constant 320 : index
      %get3A_629 = tpu.vector_load %arg4[%get3A_627, %get3A_628] {strides = array<i32>} : memref<2x384xi32, #tpu.memory_space<vmem>>, vector<1x16xi32>,
      %get3A_630 = vector.shape_cast %get3A_629 : vector<1x16xi32> to vector<16xi32>
      %mul3A_631 = arith.constant 24 : i32
      %mul3A_632 = vector.broadcast %mul3A_631 : i32 to vector<16xi32>
      %mul3A_633 = arith.muli %get3A_630, %mul3A_632 : vector<16xi32>
      %add3A_634 = arith.addi %mul3A_633, %get3A_625 : vector<16xi32>
      %swap3A_635 = arith.constant 64 : index
      %swap3A_636 = tpu.vector_load %arg7[%swap3A_635] {strides = array<i32>} : memref<128xi32, #tpu.memory_space<vmem>>, vector<16xi32>,
      %swap3A_637 = vector.shape_cast %swap3A_636 : vector<16xi32> to vector<16xi32>
      %swap3A_638 = vector.shape_cast %add3A_634 : vector<16xi32> to vector<16xi32>
      tpu.vector_store %arg7[%swap3A_635], %swap3A_638 {strides = array<i32>} : memref<128xi32, #tpu.memory_space<vmem>>, vector<16xi32>,
      %get3A_639 = arith.constant 0 : i32
      %get3A_640 = arith.index_cast %get3A_639 : i32 to index
      %get3A_641 = arith.constant 336 : index
      %get3A_642 = tpu.vector_load %arg4[%get3A_640, %get3A_641] {strides = array<i32>} : memref<2x384xi32, #tpu.memory_space<vmem>>, vector<1x16xi32>,
      %get3A_643 = vector.shape_cast %get3A_642 : vector<1x16xi32> to vector<16xi32>
      %get3A_644 = arith.constant 1 : i32
      %get3A_645 = arith.index_cast %get3A_644 : i32 to index
      %get3A_646 = arith.constant 336 : index
      %get3A_647 = tpu.vector_load %arg4[%get3A_645, %get3A_646] {strides = array<i32>} : memref<2x384xi32, #tpu.memory_space<vmem>>, vector<1x16xi32>,
      %get3A_648 = vector.shape_cast %get3A_647 : vector<1x16xi32> to vector<16xi32>
      %mul3A_649 = arith.constant 24 : i32
      %mul3A_650 = vector.broadcast %mul3A_649 : i32 to vector<16xi32>
      %mul3A_651 = arith.muli %get3A_648, %mul3A_650 : vector<16xi32>
      %add3A_652 = arith.addi %mul3A_651, %get3A_643 : vector<16xi32>
      %swap3A_653 = arith.constant 80 : index
      %swap3A_654 = tpu.vector_load %arg7[%swap3A_653] {strides = array<i32>} : memref<128xi32, #tpu.memory_space<vmem>>, vector<16xi32>,
      %swap3A_655 = vector.shape_cast %swap3A_654 : vector<16xi32> to vector<16xi32>
      %swap3A_656 = vector.shape_cast %add3A_652 : vector<16xi32> to vector<16xi32>
      tpu.vector_store %arg7[%swap3A_653], %swap3A_656 {strides = array<i32>} : memref<128xi32, #tpu.memory_space<vmem>>, vector<16xi32>,
      %get3A_657 = arith.constant 0 : i32
      %get3A_658 = arith.index_cast %get3A_657 : i32 to index
      %get3A_659 = arith.constant 352 : index
      %get3A_660 = tpu.vector_load %arg4[%get3A_658, %get3A_659] {strides = array<i32>} : memref<2x384xi32, #tpu.memory_space<vmem>>, vector<1x16xi32>,
      %get3A_661 = vector.shape_cast %get3A_660 : vector<1x16xi32> to vector<16xi32>
      %get3A_662 = arith.constant 1 : i32
      %get3A_663 = arith.index_cast %get3A_662 : i32 to index
      %get3A_664 = arith.constant 352 : index
      %get3A_665 = tpu.vector_load %arg4[%get3A_663, %get3A_664] {strides = array<i32>} : memref<2x384xi32, #tpu.memory_space<vmem>>, vector<1x16xi32>,
      %get3A_666 = vector.shape_cast %get3A_665 : vector<1x16xi32> to vector<16xi32>
      %mul3A_667 = arith.constant 24 : i32
      %mul3A_668 = vector.broadcast %mul3A_667 : i32 to vector<16xi32>
      %mul3A_669 = arith.muli %get3A_666, %mul3A_668 : vector<16xi32>
      %add3A_670 = arith.addi %mul3A_669, %get3A_661 : vector<16xi32>
      %swap3A_671 = arith.constant 96 : index
      %swap3A_672 = tpu.vector_load %arg7[%swap3A_671] {strides = array<i32>} : memref<128xi32, #tpu.memory_space<vmem>>, vector<16xi32>,
      %swap3A_673 = vector.shape_cast %swap3A_672 : vector<16xi32> to vector<16xi32>
      %swap3A_674 = vector.shape_cast %add3A_670 : vector<16xi32> to vector<16xi32>
      tpu.vector_store %arg7[%swap3A_671], %swap3A_674 {strides = array<i32>} : memref<128xi32, #tpu.memory_space<vmem>>, vector<16xi32>,
      %get3A_675 = arith.constant 0 : i32
      %get3A_676 = arith.index_cast %get3A_675 : i32 to index
      %get3A_677 = arith.constant 368 : index
      %get3A_678 = tpu.vector_load %arg4[%get3A_676, %get3A_677] {strides = array<i32>} : memref<2x384xi32, #tpu.memory_space<vmem>>, vector<1x16xi32>,
      %get3A_679 = vector.shape_cast %get3A_678 : vector<1x16xi32> to vector<16xi32>
      %get3A_680 = arith.constant 1 : i32
      %get3A_681 = arith.index_cast %get3A_680 : i32 to index
      %get3A_682 = arith.constant 368 : index
      %get3A_683 = tpu.vector_load %arg4[%get3A_681, %get3A_682] {strides = array<i32>} : memref<2x384xi32, #tpu.memory_space<vmem>>, vector<1x16xi32>,
      %get3A_684 = vector.shape_cast %get3A_683 : vector<1x16xi32> to vector<16xi32>
      %mul3A_685 = arith.constant 24 : i32
      %mul3A_686 = vector.broadcast %mul3A_685 : i32 to vector<16xi32>
      %mul3A_687 = arith.muli %get3A_684, %mul3A_686 : vector<16xi32>
      %add3A_688 = arith.addi %mul3A_687, %get3A_679 : vector<16xi32>
      %swap3A_689 = arith.constant 112 : index
      %swap3A_690 = tpu.vector_load %arg7[%swap3A_689] {strides = array<i32>} : memref<128xi32, #tpu.memory_space<vmem>>, vector<16xi32>,
      %swap3A_691 = vector.shape_cast %swap3A_690 : vector<16xi32> to vector<16xi32>
      %swap3A_692 = vector.shape_cast %add3A_688 : vector<16xi32> to vector<16xi32>
      tpu.vector_store %arg7[%swap3A_689], %swap3A_692 {strides = array<i32>} : memref<128xi32, #tpu.memory_space<vmem>>, vector<16xi32>,
      tpu.wait_dma2 semaphore(%arg12 : memref<!tpu.dma_semaphore, #tpu.memory_space<semaphore_mem>>) src(%arg9 : memref<576xf32, #tpu.memory_space<vmem>>) dst(%arg10 : memref<576xf32, #tpu.memory_space<vmem_shared>>)
      %dma_start3A = arith.constant 0 : i32
      %dma_start3A_693 = tpu.memref_slice %arg10[%dma_start3A] : memref<576xf32, #tpu.memory_space<vmem_shared>> -> memref<576xf32, #tpu.memory_space<vmem_shared>>
      tpu.enqueue_indirect_dma source(%arg8 : memref<128xf32, #tpu.memory_space<vmem>>) target(%dma_start3A_693 : memref<576xf32, #tpu.memory_space<vmem_shared>>) offsets(%arg5 : memref<128xi32, #tpu.memory_space<vmem>>) semaphore(%arg11 : memref<!tpu.dma_semaphore, #tpu.memory_space<semaphore_mem>>) {add = true}
      %dma_start3A_694 = arith.constant 0 : i32
      %dma_start3A_695 = tpu.memref_slice %arg10[%dma_start3A_694] : memref<576xf32, #tpu.memory_space<vmem_shared>> -> memref<576xf32, #tpu.memory_space<vmem_shared>>
      tpu.enqueue_indirect_dma source(%arg8 : memref<128xf32, #tpu.memory_space<vmem>>) target(%dma_start3A_695 : memref<576xf32, #tpu.memory_space<vmem_shared>>) offsets(%arg6 : memref<128xi32, #tpu.memory_space<vmem>>) semaphore(%arg11 : memref<!tpu.dma_semaphore, #tpu.memory_space<semaphore_mem>>) {add = true}
      %dma_start3A_696 = arith.constant 0 : i32
      %dma_start3A_697 = tpu.memref_slice %arg10[%dma_start3A_696] : memref<576xf32, #tpu.memory_space<vmem_shared>> -> memref<576xf32, #tpu.memory_space<vmem_shared>>
      tpu.enqueue_indirect_dma source(%arg8 : memref<128xf32, #tpu.memory_space<vmem>>) target(%dma_start3A_697 : memref<576xf32, #tpu.memory_space<vmem_shared>>) offsets(%arg7 : memref<128xi32, #tpu.memory_space<vmem>>) semaphore(%arg11 : memref<!tpu.dma_semaphore, #tpu.memory_space<semaphore_mem>>) {add = true}
      %dma_wait3A = arith.constant 0 : i32
      %dma_wait3A_698 = tpu.memref_slice %arg10[%dma_wait3A] : memref<576xf32, #tpu.memory_space<vmem_shared>> -> memref<576xf32, #tpu.memory_space<vmem_shared>>
      tpu.wait_indirect_dma semaphore(%arg11 : memref<!tpu.dma_semaphore, #tpu.memory_space<semaphore_mem>>) src(%arg8 : memref<128xf32, #tpu.memory_space<vmem>>) dst(%dma_wait3A_698 : memref<576xf32, #tpu.memory_space<vmem_shared>>)
      %dma_wait3A_699 = arith.constant 0 : i32
      %dma_wait3A_700 = tpu.memref_slice %arg10[%dma_wait3A_699] : memref<576xf32, #tpu.memory_space<vmem_shared>> -> memref<576xf32, #tpu.memory_space<vmem_shared>>
      tpu.wait_indirect_dma semaphore(%arg11 : memref<!tpu.dma_semaphore, #tpu.memory_space<semaphore_mem>>) src(%arg8 : memref<128xf32, #tpu.memory_space<vmem>>) dst(%dma_wait3A_700 : memref<576xf32, #tpu.memory_space<vmem_shared>>)
      %dma_wait3A_701 = arith.constant 0 : i32
      %dma_wait3A_702 = tpu.memref_slice %arg10[%dma_wait3A_701] : memref<576xf32, #tpu.memory_space<vmem_shared>> -> memref<576xf32, #tpu.memory_space<vmem_shared>>
      tpu.wait_indirect_dma semaphore(%arg11 : memref<!tpu.dma_semaphore, #tpu.memory_space<semaphore_mem>>) src(%arg8 : memref<128xf32, #tpu.memory_space<vmem>>) dst(%dma_wait3A_702 : memref<576xf32, #tpu.memory_space<vmem_shared>>)
      "tpu.region"() ({
        %run_scoped3A = tpu.sem_alloc : memref<!tpu.dma_semaphore, #tpu.memory_space<semaphore_mem>>
        tpu.enqueue_dma source(%arg10 : memref<576xf32, #tpu.memory_space<vmem_shared>>) target(%arg3 : memref<576xf32, #tpu.memory_space<hbm>>) target_semaphore(%run_scoped3A : memref<!tpu.dma_semaphore, #tpu.memory_space<semaphore_mem>>)
        tpu.wait_dma2 semaphore(%run_scoped3A : memref<!tpu.dma_semaphore, #tpu.memory_space<semaphore_mem>>) src(%arg10 : memref<576xf32, #tpu.memory_space<vmem_shared>>) dst(%arg3 : memref<576xf32, #tpu.memory_space<hbm>>)
        tpu.yield
      }) : () -> ()
    } else {
    }
    return
  }
}

module attributes {stable_mosaic.version = 14 : i64} {
  func.func @_tc_pre_body(%arg0: memref<24x128xf32, #tpu.memory_space<vmem>>, %arg1: memref<3x128x8xf32, #tpu.memory_space<vmem>>, %arg2: memref<192x64xf32, #tpu.memory_space<vmem>>, %arg3: memref<64xf32, #tpu.memory_space<vmem>>, %arg4: memref<64x2xf32, #tpu.memory_space<vmem>>, %arg5: memref<2xf32, #tpu.memory_space<vmem>>, %arg6: memref<24x8xf32, #tpu.memory_space<vmem>>, %arg7: memref<24x8xf32, #tpu.memory_space<vmem>>, %arg8: memref<24x8xf32, #tpu.memory_space<vmem>>, %arg9: memref<2x192xf32, #tpu.memory_space<vmem>>, %arg10: memref<2x1xf32, #tpu.memory_space<vmem>>) attributes {dimension_semantics = [], scalar_prefetch = 0 : i64, scratch_operands = 0 : i64, tpu.core_type = #tpu.core_type<tc>} {
    %get3A = arith.constant 0 : index
    %get3A_0 = arith.constant 0 : index
    %get3A_1 = vector.load %arg0[%get3A, %get3A_0] : memref<24x128xf32, #tpu.memory_space<vmem>>, vector<24x128xf32>
    %get3A_2 = arith.constant 0 : index
    %get3A_3 = arith.constant 0 : index
    %get3A_4 = arith.constant 0 : index
    %get3A_5 = vector.load %arg1[%get3A_2, %get3A_3, %get3A_4] : memref<3x128x8xf32, #tpu.memory_space<vmem>>, vector<1x128x8xf32>
    %get3A_6 = vector.shape_cast %get3A_5 : vector<1x128x8xf32> to vector<128x8xf32>
    %dot_general3A = arith.constant dense<0.000000e+00> : vector<24x8xf32>
    %dot_general3A_7 = tpu.matmul %get3A_1, %get3A_6, %dot_general3A {dimension_numbers = #tpu.dot_dimension_numbers<[1], [0], [0], [1], [0, 0, 1, 1], [], []>, precision = #tpu.contract_precision<fp32>, transpose_lhs_hint = false} : vector<24x128xf32>, vector<128x8xf32>, vector<24x8xf32> -> vector<24x8xf32>
    %swap3A = arith.constant 0 : index
    %swap3A_8 = arith.constant 0 : index
    %swap3A_9 = vector.load %arg6[%swap3A, %swap3A_8] : memref<24x8xf32, #tpu.memory_space<vmem>>, vector<24x8xf32>
    tpu.vector_store %arg6[%swap3A, %swap3A_8], %dot_general3A_7 {strides = array<i32>} : memref<24x8xf32, #tpu.memory_space<vmem>>, vector<24x8xf32>,
    %get3A_10 = arith.constant 1 : index
    %get3A_11 = arith.constant 0 : index
    %get3A_12 = arith.constant 0 : index
    %get3A_13 = vector.load %arg1[%get3A_10, %get3A_11, %get3A_12] : memref<3x128x8xf32, #tpu.memory_space<vmem>>, vector<1x128x8xf32>
    %get3A_14 = vector.shape_cast %get3A_13 : vector<1x128x8xf32> to vector<128x8xf32>
    %dot_general3A_15 = arith.constant dense<0.000000e+00> : vector<24x8xf32>
    %dot_general3A_16 = tpu.matmul %get3A_1, %get3A_14, %dot_general3A_15 {dimension_numbers = #tpu.dot_dimension_numbers<[1], [0], [0], [1], [0, 0, 1, 1], [], []>, precision = #tpu.contract_precision<fp32>, transpose_lhs_hint = false} : vector<24x128xf32>, vector<128x8xf32>, vector<24x8xf32> -> vector<24x8xf32>
    %swap3A_17 = arith.constant 0 : index
    %swap3A_18 = arith.constant 0 : index
    %swap3A_19 = vector.load %arg7[%swap3A_17, %swap3A_18] : memref<24x8xf32, #tpu.memory_space<vmem>>, vector<24x8xf32>
    tpu.vector_store %arg7[%swap3A_17, %swap3A_18], %dot_general3A_16 {strides = array<i32>} : memref<24x8xf32, #tpu.memory_space<vmem>>, vector<24x8xf32>,
    %get3A_20 = arith.constant 2 : index
    %get3A_21 = arith.constant 0 : index
    %get3A_22 = arith.constant 0 : index
    %get3A_23 = vector.load %arg1[%get3A_20, %get3A_21, %get3A_22] : memref<3x128x8xf32, #tpu.memory_space<vmem>>, vector<1x128x8xf32>
    %get3A_24 = vector.shape_cast %get3A_23 : vector<1x128x8xf32> to vector<128x8xf32>
    %dot_general3A_25 = arith.constant dense<0.000000e+00> : vector<24x8xf32>
    %dot_general3A_26 = tpu.matmul %get3A_1, %get3A_24, %dot_general3A_25 {dimension_numbers = #tpu.dot_dimension_numbers<[1], [0], [0], [1], [0, 0, 1, 1], [], []>, precision = #tpu.contract_precision<fp32>, transpose_lhs_hint = false} : vector<24x128xf32>, vector<128x8xf32>, vector<24x8xf32> -> vector<24x8xf32>
    %swap3A_27 = arith.constant 0 : index
    %swap3A_28 = arith.constant 0 : index
    %swap3A_29 = vector.load %arg8[%swap3A_27, %swap3A_28] : memref<24x8xf32, #tpu.memory_space<vmem>>, vector<24x8xf32>
    tpu.vector_store %arg8[%swap3A_27, %swap3A_28], %dot_general3A_26 {strides = array<i32>} : memref<24x8xf32, #tpu.memory_space<vmem>>, vector<24x8xf32>,
    %get3A_30 = arith.constant 0 : index
    %get3A_31 = arith.constant 0 : index
    %get3A_32 = vector.load %arg2[%get3A_30, %get3A_31] : memref<192x64xf32, #tpu.memory_space<vmem>>, vector<192x64xf32>
    %transpose3A = tpu.transpose %get3A_32, [1, 0] : vector<192x64xf32> -> vector<64x192xf32>
    %get3A_33 = arith.constant 0 : index
    %get3A_34 = arith.constant 0 : index
    %get3A_35 = vector.load %arg4[%get3A_33, %get3A_34] : memref<64x2xf32, #tpu.memory_space<vmem>>, vector<64x2xf32>
    %transpose3A_36 = tpu.transpose %get3A_35, [1, 0] : vector<64x2xf32> -> vector<2x64xf32>
    %iota3A = tpu.iota {dimensions = array<i32: 0>} : vector<64x64xi32>
    %iota3A_37 = tpu.iota {dimensions = array<i32: 1>} : vector<64x64xi32>
    %eq3A = arith.cmpi eq, %iota3A, %iota3A_37 : vector<64x64xi32>
    %convert_element_type3A = arith.extui %eq3A : vector<64x64xi1> to vector<64x64xi32>
    %convert_element_type3A_38 = arith.sitofp %convert_element_type3A : vector<64x64xi32> to vector<64x64xf32>
    %get3A_39 = arith.constant 0 : index
    %get3A_40 = vector.load %arg3[%get3A_39] : memref<64xf32, #tpu.memory_space<vmem>>, vector<64xf32>
    %broadcast_in_dim3A = vector.shape_cast %get3A_40 : vector<64xf32> to vector<1x64xf32>
    %broadcast_in_dim3A_41 = vector.broadcast %broadcast_in_dim3A : vector<1x64xf32> to vector<64x64xf32>
    %mul3A = arith.mulf %convert_element_type3A_38, %broadcast_in_dim3A_41 : vector<64x64xf32>
    %reduce_sum3A = arith.constant dense<0.000000e+00> : vector<64xf32>
    %reduce_sum3A_42 = vector.multi_reduction <add>, %mul3A, %reduce_sum3A [1] : vector<64x64xf32> to vector<64xf32>
    %broadcast_in_dim3A_43 = vector.shape_cast %reduce_sum3A_42 : vector<64xf32> to vector<64x1xf32>
    %iota3A_44 = tpu.iota {dimensions = array<i32: 0>} : vector<2x2xi32>
    %iota3A_45 = tpu.iota {dimensions = array<i32: 1>} : vector<2x2xi32>
    %eq3A_46 = arith.cmpi eq, %iota3A_44, %iota3A_45 : vector<2x2xi32>
    %convert_element_type3A_47 = arith.extui %eq3A_46 : vector<2x2xi1> to vector<2x2xi32>
    %convert_element_type3A_48 = arith.sitofp %convert_element_type3A_47 : vector<2x2xi32> to vector<2x2xf32>
    %get3A_49 = arith.constant 0 : index
    %get3A_50 = vector.load %arg5[%get3A_49] : memref<2xf32, #tpu.memory_space<vmem>>, vector<2xf32>
    %broadcast_in_dim3A_51 = vector.shape_cast %get3A_50 : vector<2xf32> to vector<1x2xf32>
    %broadcast_in_dim3A_52 = vector.broadcast %broadcast_in_dim3A_51 : vector<1x2xf32> to vector<2x2xf32>
    %mul3A_53 = arith.mulf %convert_element_type3A_48, %broadcast_in_dim3A_52 : vector<2x2xf32>
    %reduce_sum3A_54 = arith.constant dense<0.000000e+00> : vector<2xf32>
    %reduce_sum3A_55 = vector.multi_reduction <add>, %mul3A_53, %reduce_sum3A_54 [1] : vector<2x2xf32> to vector<2xf32>
    %broadcast_in_dim3A_56 = vector.shape_cast %reduce_sum3A_55 : vector<2xf32> to vector<2x1xf32>
    %dot_general3A_57 = arith.constant dense<0.000000e+00> : vector<2x192xf32>
    %dot_general3A_58 = tpu.matmul %transpose3A_36, %transpose3A, %dot_general3A_57 {dimension_numbers = #tpu.dot_dimension_numbers<[1], [0], [0], [1], [0, 0, 1, 1], [], []>, precision = #tpu.contract_precision<fp32>, transpose_lhs_hint = false} : vector<2x64xf32>, vector<64x192xf32>, vector<2x192xf32> -> vector<2x192xf32>
    %swap3A_59 = arith.constant 0 : index
    %swap3A_60 = arith.constant 0 : index
    %swap3A_61 = vector.load %arg9[%swap3A_59, %swap3A_60] : memref<2x192xf32, #tpu.memory_space<vmem>>, vector<2x192xf32>
    tpu.vector_store %arg9[%swap3A_59, %swap3A_60], %dot_general3A_58 {strides = array<i32>} : memref<2x192xf32, #tpu.memory_space<vmem>>, vector<2x192xf32>,
    %dot_general3A_62 = arith.constant dense<0.000000e+00> : vector<2x1xf32>
    %dot_general3A_63 = tpu.matmul %transpose3A_36, %broadcast_in_dim3A_43, %dot_general3A_62 {dimension_numbers = #tpu.dot_dimension_numbers<[1], [0], [0], [1], [0, 0, 1, 1], [], []>, precision = #tpu.contract_precision<fp32>, transpose_lhs_hint = false} : vector<2x64xf32>, vector<64x1xf32>, vector<2x1xf32> -> vector<2x1xf32>
    %add3A = arith.addf %dot_general3A_63, %broadcast_in_dim3A_56 : vector<2x1xf32>
    %swap3A_64 = arith.constant 0 : index
    %swap3A_65 = arith.constant 0 : index
    %swap3A_66 = vector.load %arg10[%swap3A_64, %swap3A_65] : memref<2x1xf32, #tpu.memory_space<vmem>>, vector<2x1xf32>
    tpu.vector_store %arg10[%swap3A_64, %swap3A_65], %add3A {strides = array<i32>} : memref<2x1xf32, #tpu.memory_space<vmem>>, vector<2x1xf32>,
    return
  }
}

module attributes {stable_mosaic.version = 14 : i64} {
  func.func @_tc_body(%arg0: memref<576xf32, #tpu.memory_space<vmem>>, %arg1: memref<24x8xf32, #tpu.memory_space<vmem>>, %arg2: memref<24x8xf32, #tpu.memory_space<vmem>>, %arg3: memref<24x8xf32, #tpu.memory_space<vmem>>, %arg4: memref<8xf32, #tpu.memory_space<vmem>>, %arg5: memref<3x8x8xf32, #tpu.memory_space<vmem>>, %arg6: memref<8xf32, #tpu.memory_space<vmem>>, %arg7: memref<2x192xf32, #tpu.memory_space<vmem>>, %arg8: memref<2x1xf32, #tpu.memory_space<vmem>>, %arg9: memref<1x2xf32, #tpu.memory_space<vmem>>) attributes {dimension_semantics = [], scalar_prefetch = 0 : i64, scratch_operands = 0 : i64, tpu.core_type = #tpu.core_type<tc>} {
    %get3A = arith.constant 0 : index
    %get3A_0 = vector.load %arg0[%get3A] : memref<576xf32, #tpu.memory_space<vmem>>, vector<576xf32>
    %broadcast_in_dim3A = vector.shape_cast %get3A_0 : vector<576xf32> to vector<1x576xf32>
    %iota3A = tpu.iota {dimensions = array<i32: 1>} : vector<24x576xi32>
    %iota3A_1 = tpu.iota {dimensions = array<i32: 0>} : vector<24x576xi32>
    %jit3A = arith.constant 24 : i32
    %div3A = vector.broadcast %jit3A : i32 to vector<24x576xi32>
    %div3A_2 = arith.divsi %iota3A, %div3A : vector<24x576xi32>
    %sign3A = arith.constant 0 : i32
    %sign3A_3 = vector.broadcast %sign3A : i32 to vector<24x576xi32>
    %sign3A_4 = arith.cmpi sgt, %iota3A, %sign3A_3 : vector<24x576xi32>
    %sign3A_5 = arith.extui %sign3A_4 : vector<24x576xi1> to vector<24x576xi32>
    %sign3A_6 = arith.constant 0 : i32
    %sign3A_7 = vector.broadcast %sign3A_6 : i32 to vector<24x576xi32>
    %sign3A_8 = arith.cmpi slt, %iota3A, %sign3A_7 : vector<24x576xi32>
    %sign3A_9 = arith.extui %sign3A_8 : vector<24x576xi1> to vector<24x576xi32>
    %sign3A_10 = arith.subi %sign3A_5, %sign3A_9 : vector<24x576xi32>
    %sign3A_11 = arith.constant 0 : i32
    %sign3A_12 = arith.cmpi sgt, %jit3A, %sign3A_11 : i32
    %sign3A_13 = arith.extui %sign3A_12 : i1 to i32
    %sign3A_14 = arith.constant 0 : i32
    %sign3A_15 = arith.cmpi slt, %jit3A, %sign3A_14 : i32
    %sign3A_16 = arith.extui %sign3A_15 : i1 to i32
    %sign3A_17 = arith.subi %sign3A_13, %sign3A_16 : i32
    %ne3A = vector.broadcast %sign3A_17 : i32 to vector<24x576xi32>
    %ne3A_18 = arith.cmpi ne, %sign3A_10, %ne3A : vector<24x576xi32>
    %rem3A = vector.broadcast %jit3A : i32 to vector<24x576xi32>
    %rem3A_19 = arith.remsi %iota3A, %rem3A : vector<24x576xi32>
    %ne3A_20 = arith.constant 0 : i32
    %ne3A_21 = vector.broadcast %ne3A_20 : i32 to vector<24x576xi32>
    %ne3A_22 = arith.cmpi ne, %rem3A_19, %ne3A_21 : vector<24x576xi32>
    %and3A = arith.andi %ne3A_18, %ne3A_22 : vector<24x576xi1>
    %sub3A = arith.constant 1 : i32
    %sub3A_23 = vector.broadcast %sub3A : i32 to vector<24x576xi32>
    %sub3A_24 = arith.subi %div3A_2, %sub3A_23 : vector<24x576xi32>
    %select_n3A = arith.select %and3A, %sub3A_24, %div3A_2 : vector<24x576xi1>, vector<24x576xi32>
    %eq3A = arith.cmpi eq, %select_n3A, %iota3A_1 : vector<24x576xi32>
    %convert_element_type3A = arith.extui %eq3A : vector<24x576xi1> to vector<24x576xi32>
    %convert_element_type3A_25 = arith.sitofp %convert_element_type3A : vector<24x576xi32> to vector<24x576xf32>
    %broadcast_in_dim3A_26 = vector.shape_cast %broadcast_in_dim3A : vector<1x576xf32> to vector<1x576xf32>
    %broadcast_in_dim3A_27 = vector.broadcast %broadcast_in_dim3A_26 : vector<1x576xf32> to vector<24x576xf32>
    %mul3A = arith.mulf %convert_element_type3A_25, %broadcast_in_dim3A_27 : vector<24x576xf32>
    %iota3A_28 = tpu.iota {dimensions = array<i32: 0>} : vector<576x24xi32>
    %iota3A_29 = tpu.iota {dimensions = array<i32: 1>} : vector<576x24xi32>
    %jit3A_30 = arith.constant 24 : i32
    %eq3A_31 = arith.constant 0 : i32
    %eq3A_32 = arith.cmpi eq, %jit3A_30, %eq3A_31 : i32
    %jit3A_33 = arith.constant 1 : i32
    %select_n3A_34 = arith.select %eq3A_32, %jit3A_33, %jit3A_30 : i32
    %rem3A_35 = vector.broadcast %select_n3A_34 : i32 to vector<576x24xi32>
    %rem3A_36 = arith.remsi %iota3A_28, %rem3A_35 : vector<576x24xi32>
    %ne3A_37 = arith.constant 0 : i32
    %ne3A_38 = vector.broadcast %ne3A_37 : i32 to vector<576x24xi32>
    %ne3A_39 = arith.cmpi ne, %rem3A_36, %ne3A_38 : vector<576x24xi32>
    %lt3A = arith.constant 0 : i32
    %lt3A_40 = vector.broadcast %lt3A : i32 to vector<576x24xi32>
    %lt3A_41 = arith.cmpi slt, %rem3A_36, %lt3A_40 : vector<576x24xi32>
    %lt3A_42 = arith.constant 0 : i32
    %lt3A_43 = arith.cmpi slt, %select_n3A_34, %lt3A_42 : i32
    %ne3A_44 = vector.broadcast %lt3A_43 : i1 to vector<576x24xi1>
    %ne3A_45 = vector.broadcast %ne3A_44 : vector<576x24xi1> to vector<576x24xi1>
    %ne3A_46 = arith.xori %lt3A_41, %ne3A_45 : vector<576x24xi1>
    %and3A_47 = arith.andi %ne3A_46, %ne3A_39 : vector<576x24xi1>
    %add3A = vector.broadcast %select_n3A_34 : i32 to vector<576x24xi32>
    %add3A_48 = arith.addi %rem3A_36, %add3A : vector<576x24xi32>
    %select_n3A_49 = arith.select %and3A_47, %add3A_48, %rem3A_36 : vector<576x24xi1>, vector<576x24xi32>
    %eq3A_50 = arith.cmpi eq, %select_n3A_49, %iota3A_29 : vector<576x24xi32>
    %convert_element_type3A_51 = arith.extui %eq3A_50 : vector<576x24xi1> to vector<576x24xi32>
    %convert_element_type3A_52 = arith.sitofp %convert_element_type3A_51 : vector<576x24xi32> to vector<576x24xf32>
    %dot_general3A = arith.constant dense<0.000000e+00> : vector<24x24xf32>
    %dot_general3A_53 = tpu.matmul %mul3A, %convert_element_type3A_52, %dot_general3A {dimension_numbers = #tpu.dot_dimension_numbers<[1], [0], [0], [1], [0, 0, 1, 1], [], []>, precision = #tpu.contract_precision<fp32>, transpose_lhs_hint = false} : vector<24x576xf32>, vector<576x24xf32>, vector<24x24xf32> -> vector<24x24xf32>
    %reduce_sum3A = arith.constant dense<0.000000e+00> : vector<24xf32>
    %reduce_sum3A_54 = vector.multi_reduction <add>, %dot_general3A_53, %reduce_sum3A [0] : vector<24x24xf32> to vector<24xf32>
    %broadcast_in_dim3A_55 = vector.shape_cast %reduce_sum3A_54 : vector<24xf32> to vector<1x24xf32>
    %gt3A = arith.constant 0.000000e+00 : f32
    %gt3A_56 = vector.broadcast %gt3A : f32 to vector<1x24xf32>
    %gt3A_57 = arith.cmpf ogt, %broadcast_in_dim3A_55, %gt3A_56 : vector<1x24xf32>
    %gt3A_58 = arith.constant 0.000000e+00 : f32
    %gt3A_59 = vector.broadcast %gt3A_58 : f32 to vector<1x24xf32>
    %gt3A_60 = arith.cmpf ogt, %broadcast_in_dim3A_55, %gt3A_59 : vector<1x24xf32>
    %jit3A_61 = arith.constant 1.000000e+00 : f32
    %broadcast_in_dim3A_62 = vector.broadcast %jit3A_61 : f32 to vector<1x24xf32>
    %select_n3A_63 = arith.select %gt3A_60, %broadcast_in_dim3A_55, %broadcast_in_dim3A_62 : vector<1x24xi1>, vector<1x24xf32>
    %rsqrt3A = math.rsqrt %select_n3A_63 : vector<1x24xf32>
    %jit3A_64 = arith.constant 0.000000e+00 : f32
    %broadcast_in_dim3A_65 = vector.broadcast %jit3A_64 : f32 to vector<1x24xf32>
    %select_n3A_66 = arith.select %gt3A_57, %rsqrt3A, %broadcast_in_dim3A_65 : vector<1x24xi1>, vector<1x24xf32>
    %transpose3A = tpu.transpose %select_n3A_66, [1, 0] : vector<1x24xf32> -> vector<24x1xf32>
    %mul3A_67 = vector.broadcast %transpose3A : vector<24x1xf32> to vector<24x24xf32>
    %mul3A_68 = arith.mulf %dot_general3A_53, %mul3A_67 : vector<24x24xf32>
    %neg3A = arith.constant 0.000000e+00 : f32
    %neg3A_69 = vector.broadcast %neg3A : f32 to vector<24x24xf32>
    %neg3A_70 = arith.subf %neg3A_69, %mul3A_68 : vector<24x24xf32>
    %mul3A_71 = vector.broadcast %select_n3A_66 : vector<1x24xf32> to vector<24x24xf32>
    %mul3A_72 = arith.mulf %neg3A_70, %mul3A_71 : vector<24x24xf32>
    %get3A_73 = arith.constant 0 : index
    %get3A_74 = arith.constant 0 : index
    %get3A_75 = vector.load %arg1[%get3A_73, %get3A_74] : memref<24x8xf32, #tpu.memory_space<vmem>>, vector<24x8xf32>
    %get3A_76 = arith.constant 0 : index
    %get3A_77 = arith.constant 0 : index
    %get3A_78 = vector.load %arg2[%get3A_76, %get3A_77] : memref<24x8xf32, #tpu.memory_space<vmem>>, vector<24x8xf32>
    %get3A_79 = arith.constant 0 : index
    %get3A_80 = arith.constant 0 : index
    %get3A_81 = vector.load %arg3[%get3A_79, %get3A_80] : memref<24x8xf32, #tpu.memory_space<vmem>>, vector<24x8xf32>
    %get3A_82 = arith.constant 0 : index
    %get3A_83 = vector.load %arg4[%get3A_82] : memref<8xf32, #tpu.memory_space<vmem>>, vector<8xf32>
    %broadcast_in_dim3A_84 = vector.shape_cast %get3A_83 : vector<8xf32> to vector<1x8xf32>
    %broadcast_in_dim3A_85 = vector.broadcast %broadcast_in_dim3A_84 : vector<1x8xf32> to vector<24x8xf32>
    %dot_general3A_86 = arith.constant dense<0.000000e+00> : vector<24x8xf32>
    %dot_general3A_87 = tpu.matmul %mul3A_72, %get3A_78, %dot_general3A_86 {dimension_numbers = #tpu.dot_dimension_numbers<[1], [0], [0], [1], [0, 0, 1, 1], [], []>, precision = #tpu.contract_precision<fp32>, transpose_lhs_hint = false} : vector<24x24xf32>, vector<24x8xf32>, vector<24x8xf32> -> vector<24x8xf32>
    %add3A_88 = arith.addf %get3A_75, %dot_general3A_87 : vector<24x8xf32>
    %dot_general3A_89 = arith.constant dense<0.000000e+00> : vector<24x8xf32>
    %dot_general3A_90 = tpu.matmul %mul3A_72, %get3A_81, %dot_general3A_89 {dimension_numbers = #tpu.dot_dimension_numbers<[1], [0], [0], [1], [0, 0, 1, 1], [], []>, precision = #tpu.contract_precision<fp32>, transpose_lhs_hint = false} : vector<24x24xf32>, vector<24x8xf32>, vector<24x8xf32> -> vector<24x8xf32>
    %dot_general3A_91 = arith.constant dense<0.000000e+00> : vector<24x8xf32>
    %dot_general3A_92 = tpu.matmul %mul3A_72, %dot_general3A_90, %dot_general3A_91 {dimension_numbers = #tpu.dot_dimension_numbers<[1], [0], [0], [1], [0, 0, 1, 1], [], []>, precision = #tpu.contract_precision<fp32>, transpose_lhs_hint = false} : vector<24x24xf32>, vector<24x8xf32>, vector<24x8xf32> -> vector<24x8xf32>
    %mul3A_93 = arith.constant 2.000000e+00 : f32
    %mul3A_94 = vector.broadcast %mul3A_93 : f32 to vector<24x8xf32>
    %mul3A_95 = arith.mulf %mul3A_94, %dot_general3A_92 : vector<24x8xf32>
    %add3A_96 = arith.addf %add3A_88, %mul3A_95 : vector<24x8xf32>
    %sub3A_97 = arith.subf %add3A_96, %get3A_81 : vector<24x8xf32>
    %add3A_98 = arith.addf %sub3A_97, %broadcast_in_dim3A_85 : vector<24x8xf32>
    %gt3A_99 = arith.constant 0.000000e+00 : f32
    %gt3A_100 = vector.broadcast %gt3A_99 : f32 to vector<24x8xf32>
    %gt3A_101 = arith.cmpf ogt, %add3A_98, %gt3A_100 : vector<24x8xf32>
    %exp3A = math.exp %add3A_98 : vector<24x8xf32>
    %sub3A_102 = arith.constant 1.000000e+00 : f32
    %sub3A_103 = vector.broadcast %sub3A_102 : f32 to vector<24x8xf32>
    %sub3A_104 = arith.subf %exp3A, %sub3A_103 : vector<24x8xf32>
    %select_n3A_105 = arith.select %gt3A_101, %add3A_98, %sub3A_104 : vector<24x8xi1>, vector<24x8xf32>
    %get3A_106 = arith.constant 0 : index
    %get3A_107 = arith.constant 0 : index
    %get3A_108 = arith.constant 0 : index
    %get3A_109 = vector.load %arg5[%get3A_106, %get3A_107, %get3A_108] : memref<3x8x8xf32, #tpu.memory_space<vmem>>, vector<1x8x8xf32>
    %get3A_110 = vector.shape_cast %get3A_109 : vector<1x8x8xf32> to vector<8x8xf32>
    %dot_general3A_111 = arith.constant dense<0.000000e+00> : vector<24x8xf32>
    %dot_general3A_112 = tpu.matmul %select_n3A_105, %get3A_110, %dot_general3A_111 {dimension_numbers = #tpu.dot_dimension_numbers<[1], [0], [0], [1], [0, 0, 1, 1], [], []>, precision = #tpu.contract_precision<fp32>, transpose_lhs_hint = false} : vector<24x8xf32>, vector<8x8xf32>, vector<24x8xf32> -> vector<24x8xf32>
    %get3A_113 = arith.constant 1 : index
    %get3A_114 = arith.constant 0 : index
    %get3A_115 = arith.constant 0 : index
    %get3A_116 = vector.load %arg5[%get3A_113, %get3A_114, %get3A_115] : memref<3x8x8xf32, #tpu.memory_space<vmem>>, vector<1x8x8xf32>
    %get3A_117 = vector.shape_cast %get3A_116 : vector<1x8x8xf32> to vector<8x8xf32>
    %dot_general3A_118 = arith.constant dense<0.000000e+00> : vector<24x8xf32>
    %dot_general3A_119 = tpu.matmul %select_n3A_105, %get3A_117, %dot_general3A_118 {dimension_numbers = #tpu.dot_dimension_numbers<[1], [0], [0], [1], [0, 0, 1, 1], [], []>, precision = #tpu.contract_precision<fp32>, transpose_lhs_hint = false} : vector<24x8xf32>, vector<8x8xf32>, vector<24x8xf32> -> vector<24x8xf32>
    %get3A_120 = arith.constant 2 : index
    %get3A_121 = arith.constant 0 : index
    %get3A_122 = arith.constant 0 : index
    %get3A_123 = vector.load %arg5[%get3A_120, %get3A_121, %get3A_122] : memref<3x8x8xf32, #tpu.memory_space<vmem>>, vector<1x8x8xf32>
    %get3A_124 = vector.shape_cast %get3A_123 : vector<1x8x8xf32> to vector<8x8xf32>
    %dot_general3A_125 = arith.constant dense<0.000000e+00> : vector<24x8xf32>
    %dot_general3A_126 = tpu.matmul %select_n3A_105, %get3A_124, %dot_general3A_125 {dimension_numbers = #tpu.dot_dimension_numbers<[1], [0], [0], [1], [0, 0, 1, 1], [], []>, precision = #tpu.contract_precision<fp32>, transpose_lhs_hint = false} : vector<24x8xf32>, vector<8x8xf32>, vector<24x8xf32> -> vector<24x8xf32>
    %get3A_127 = arith.constant 0 : index
    %get3A_128 = vector.load %arg6[%get3A_127] : memref<8xf32, #tpu.memory_space<vmem>>, vector<8xf32>
    %broadcast_in_dim3A_129 = vector.shape_cast %get3A_128 : vector<8xf32> to vector<1x8xf32>
    %broadcast_in_dim3A_130 = vector.broadcast %broadcast_in_dim3A_129 : vector<1x8xf32> to vector<24x8xf32>
    %dot_general3A_131 = arith.constant dense<0.000000e+00> : vector<24x8xf32>
    %dot_general3A_132 = tpu.matmul %mul3A_72, %dot_general3A_119, %dot_general3A_131 {dimension_numbers = #tpu.dot_dimension_numbers<[1], [0], [0], [1], [0, 0, 1, 1], [], []>, precision = #tpu.contract_precision<fp32>, transpose_lhs_hint = false} : vector<24x24xf32>, vector<24x8xf32>, vector<24x8xf32> -> vector<24x8xf32>
    %add3A_133 = arith.addf %dot_general3A_112, %dot_general3A_132 : vector<24x8xf32>
    %dot_general3A_134 = arith.constant dense<0.000000e+00> : vector<24x8xf32>
    %dot_general3A_135 = tpu.matmul %mul3A_72, %dot_general3A_126, %dot_general3A_134 {dimension_numbers = #tpu.dot_dimension_numbers<[1], [0], [0], [1], [0, 0, 1, 1], [], []>, precision = #tpu.contract_precision<fp32>, transpose_lhs_hint = false} : vector<24x24xf32>, vector<24x8xf32>, vector<24x8xf32> -> vector<24x8xf32>
    %dot_general3A_136 = arith.constant dense<0.000000e+00> : vector<24x8xf32>
    %dot_general3A_137 = tpu.matmul %mul3A_72, %dot_general3A_135, %dot_general3A_136 {dimension_numbers = #tpu.dot_dimension_numbers<[1], [0], [0], [1], [0, 0, 1, 1], [], []>, precision = #tpu.contract_precision<fp32>, transpose_lhs_hint = false} : vector<24x24xf32>, vector<24x8xf32>, vector<24x8xf32> -> vector<24x8xf32>
    %mul3A_138 = arith.constant 2.000000e+00 : f32
    %mul3A_139 = vector.broadcast %mul3A_138 : f32 to vector<24x8xf32>
    %mul3A_140 = arith.mulf %mul3A_139, %dot_general3A_137 : vector<24x8xf32>
    %add3A_141 = arith.addf %add3A_133, %mul3A_140 : vector<24x8xf32>
    %sub3A_142 = arith.subf %add3A_141, %dot_general3A_126 : vector<24x8xf32>
    %add3A_143 = arith.addf %sub3A_142, %broadcast_in_dim3A_130 : vector<24x8xf32>
    %gt3A_144 = arith.constant 0.000000e+00 : f32
    %gt3A_145 = vector.broadcast %gt3A_144 : f32 to vector<24x8xf32>
    %gt3A_146 = arith.cmpf ogt, %add3A_143, %gt3A_145 : vector<24x8xf32>
    %exp3A_147 = math.exp %add3A_143 : vector<24x8xf32>
    %sub3A_148 = arith.constant 1.000000e+00 : f32
    %sub3A_149 = vector.broadcast %sub3A_148 : f32 to vector<24x8xf32>
    %sub3A_150 = arith.subf %exp3A_147, %sub3A_149 : vector<24x8xf32>
    %select_n3A_151 = arith.select %gt3A_146, %add3A_143, %sub3A_150 : vector<24x8xi1>, vector<24x8xf32>
    %iota3A_152 = tpu.iota {dimensions = array<i32: 0>} : vector<192x24xi32>
    %iota3A_153 = tpu.iota {dimensions = array<i32: 1>} : vector<192x24xi32>
    %jit3A_154 = arith.constant 8 : i32
    %div3A_155 = vector.broadcast %jit3A_154 : i32 to vector<192x24xi32>
    %div3A_156 = arith.divsi %iota3A_152, %div3A_155 : vector<192x24xi32>
    %sign3A_157 = arith.constant 0 : i32
    %sign3A_158 = vector.broadcast %sign3A_157 : i32 to vector<192x24xi32>
    %sign3A_159 = arith.cmpi sgt, %iota3A_152, %sign3A_158 : vector<192x24xi32>
    %sign3A_160 = arith.extui %sign3A_159 : vector<192x24xi1> to vector<192x24xi32>
    %sign3A_161 = arith.constant 0 : i32
    %sign3A_162 = vector.broadcast %sign3A_161 : i32 to vector<192x24xi32>
    %sign3A_163 = arith.cmpi slt, %iota3A_152, %sign3A_162 : vector<192x24xi32>
    %sign3A_164 = arith.extui %sign3A_163 : vector<192x24xi1> to vector<192x24xi32>
    %sign3A_165 = arith.subi %sign3A_160, %sign3A_164 : vector<192x24xi32>
    %sign3A_166 = arith.constant 0 : i32
    %sign3A_167 = arith.cmpi sgt, %jit3A_154, %sign3A_166 : i32
    %sign3A_168 = arith.extui %sign3A_167 : i1 to i32
    %sign3A_169 = arith.constant 0 : i32
    %sign3A_170 = arith.cmpi slt, %jit3A_154, %sign3A_169 : i32
    %sign3A_171 = arith.extui %sign3A_170 : i1 to i32
    %sign3A_172 = arith.subi %sign3A_168, %sign3A_171 : i32
    %ne3A_173 = vector.broadcast %sign3A_172 : i32 to vector<192x24xi32>
    %ne3A_174 = arith.cmpi ne, %sign3A_165, %ne3A_173 : vector<192x24xi32>
    %rem3A_175 = vector.broadcast %jit3A_154 : i32 to vector<192x24xi32>
    %rem3A_176 = arith.remsi %iota3A_152, %rem3A_175 : vector<192x24xi32>
    %ne3A_177 = arith.constant 0 : i32
    %ne3A_178 = vector.broadcast %ne3A_177 : i32 to vector<192x24xi32>
    %ne3A_179 = arith.cmpi ne, %rem3A_176, %ne3A_178 : vector<192x24xi32>
    %and3A_180 = arith.andi %ne3A_174, %ne3A_179 : vector<192x24xi1>
    %sub3A_181 = arith.constant 1 : i32
    %sub3A_182 = vector.broadcast %sub3A_181 : i32 to vector<192x24xi32>
    %sub3A_183 = arith.subi %div3A_156, %sub3A_182 : vector<192x24xi32>
    %select_n3A_184 = arith.select %and3A_180, %sub3A_183, %div3A_156 : vector<192x24xi1>, vector<192x24xi32>
    %eq3A_185 = arith.cmpi eq, %select_n3A_184, %iota3A_153 : vector<192x24xi32>
    %convert_element_type3A_186 = arith.extui %eq3A_185 : vector<192x24xi1> to vector<192x24xi32>
    %convert_element_type3A_187 = arith.sitofp %convert_element_type3A_186 : vector<192x24xi32> to vector<192x24xf32>
    %dot_general3A_188 = arith.constant dense<0.000000e+00> : vector<192x8xf32>
    %dot_general3A_189 = tpu.matmul %convert_element_type3A_187, %select_n3A_151, %dot_general3A_188 {dimension_numbers = #tpu.dot_dimension_numbers<[1], [0], [0], [1], [0, 0, 1, 1], [], []>, precision = #tpu.contract_precision<fp32>, transpose_lhs_hint = false} : vector<192x24xf32>, vector<24x8xf32>, vector<192x8xf32> -> vector<192x8xf32>
    %iota3A_190 = tpu.iota {dimensions = array<i32: 0>} : vector<192x8xi32>
    %iota3A_191 = tpu.iota {dimensions = array<i32: 1>} : vector<192x8xi32>
    %jit3A_192 = arith.constant 8 : i32
    %eq3A_193 = arith.constant 0 : i32
    %eq3A_194 = arith.cmpi eq, %jit3A_192, %eq3A_193 : i32
    %jit3A_195 = arith.constant 1 : i32
    %select_n3A_196 = arith.select %eq3A_194, %jit3A_195, %jit3A_192 : i32
    %rem3A_197 = vector.broadcast %select_n3A_196 : i32 to vector<192x8xi32>
    %rem3A_198 = arith.remsi %iota3A_190, %rem3A_197 : vector<192x8xi32>
    %ne3A_199 = arith.constant 0 : i32
    %ne3A_200 = vector.broadcast %ne3A_199 : i32 to vector<192x8xi32>
    %ne3A_201 = arith.cmpi ne, %rem3A_198, %ne3A_200 : vector<192x8xi32>
    %lt3A_202 = arith.constant 0 : i32
    %lt3A_203 = vector.broadcast %lt3A_202 : i32 to vector<192x8xi32>
    %lt3A_204 = arith.cmpi slt, %rem3A_198, %lt3A_203 : vector<192x8xi32>
    %lt3A_205 = arith.constant 0 : i32
    %lt3A_206 = arith.cmpi slt, %select_n3A_196, %lt3A_205 : i32
    %ne3A_207 = vector.broadcast %lt3A_206 : i1 to vector<192x8xi1>
    %ne3A_208 = vector.broadcast %ne3A_207 : vector<192x8xi1> to vector<192x8xi1>
    %ne3A_209 = arith.xori %lt3A_204, %ne3A_208 : vector<192x8xi1>
    %and3A_210 = arith.andi %ne3A_209, %ne3A_201 : vector<192x8xi1>
    %add3A_211 = vector.broadcast %select_n3A_196 : i32 to vector<192x8xi32>
    %add3A_212 = arith.addi %rem3A_198, %add3A_211 : vector<192x8xi32>
    %select_n3A_213 = arith.select %and3A_210, %add3A_212, %rem3A_198 : vector<192x8xi1>, vector<192x8xi32>
    %eq3A_214 = arith.cmpi eq, %select_n3A_213, %iota3A_191 : vector<192x8xi32>
    %convert_element_type3A_215 = arith.extui %eq3A_214 : vector<192x8xi1> to vector<192x8xi32>
    %convert_element_type3A_216 = arith.sitofp %convert_element_type3A_215 : vector<192x8xi32> to vector<192x8xf32>
    %mul3A_217 = arith.mulf %dot_general3A_189, %convert_element_type3A_216 : vector<192x8xf32>
    %reduce_sum3A_218 = arith.constant dense<0.000000e+00> : vector<192xf32>
    %reduce_sum3A_219 = vector.multi_reduction <add>, %mul3A_217, %reduce_sum3A_218 [1] : vector<192x8xf32> to vector<192xf32>
    %broadcast_in_dim3A_220 = vector.shape_cast %reduce_sum3A_219 : vector<192xf32> to vector<192x1xf32>
    %get3A_221 = arith.constant 0 : index
    %get3A_222 = arith.constant 0 : index
    %get3A_223 = vector.load %arg7[%get3A_221, %get3A_222] : memref<2x192xf32, #tpu.memory_space<vmem>>, vector<2x192xf32>
    %dot_general3A_224 = arith.constant dense<0.000000e+00> : vector<2x1xf32>
    %dot_general3A_225 = tpu.matmul %get3A_223, %broadcast_in_dim3A_220, %dot_general3A_224 {dimension_numbers = #tpu.dot_dimension_numbers<[1], [0], [0], [1], [0, 0, 1, 1], [], []>, precision = #tpu.contract_precision<fp32>, transpose_lhs_hint = false} : vector<2x192xf32>, vector<192x1xf32>, vector<2x1xf32> -> vector<2x1xf32>
    %get3A_226 = arith.constant 0 : index
    %get3A_227 = arith.constant 0 : index
    %get3A_228 = vector.load %arg8[%get3A_226, %get3A_227] : memref<2x1xf32, #tpu.memory_space<vmem>>, vector<2x1xf32>
    %add3A_229 = arith.addf %dot_general3A_225, %get3A_228 : vector<2x1xf32>
    %reduce_max3A = vector.shape_cast %add3A_229 : vector<2x1xf32> to vector<1x2x1xf32>
    %reduce_max3A_230 = arith.constant dense<0xFF800000> : vector<1xf32>
    %reduce_max3A_231 = vector.multi_reduction <maximumf>, %reduce_max3A, %reduce_max3A_230 [1, 2] : vector<1x2x1xf32> to vector<1xf32>
    %reduce_max3A_232 = vector.shape_cast %reduce_max3A_231 : vector<1xf32> to vector<1x1x1xf32>
    %reduce_max3A_233 = vector.extract %reduce_max3A_232[0, 0, 0] : f32 from vector<1x1x1xf32>
    %sub3A_234 = vector.broadcast %reduce_max3A_233 : f32 to vector<2x1xf32>
    %sub3A_235 = arith.subf %add3A_229, %sub3A_234 : vector<2x1xf32>
    %exp3A_236 = math.exp %sub3A_235 : vector<2x1xf32>
    %reduce_sum3A_237 = vector.shape_cast %exp3A_236 : vector<2x1xf32> to vector<1x2x1xf32>
    %reduce_sum3A_238 = arith.constant dense<0.000000e+00> : vector<1xf32>
    %reduce_sum3A_239 = vector.multi_reduction <add>, %reduce_sum3A_237, %reduce_sum3A_238 [1, 2] : vector<1x2x1xf32> to vector<1xf32>
    %reduce_sum3A_240 = vector.shape_cast %reduce_sum3A_239 : vector<1xf32> to vector<1x1x1xf32>
    %reduce_sum3A_241 = vector.extract %reduce_sum3A_240[0, 0, 0] : f32 from vector<1x1x1xf32>
    %log3A = math.log %reduce_sum3A_241 : f32
    %add3A_242 = arith.addf %reduce_max3A_233, %log3A : f32
    %sub3A_243 = vector.broadcast %add3A_242 : f32 to vector<2x1xf32>
    %sub3A_244 = arith.subf %add3A_229, %sub3A_243 : vector<2x1xf32>
    %transpose3A_245 = tpu.transpose %sub3A_244, [1, 0] : vector<2x1xf32> -> vector<1x2xf32>
    %swap3A = arith.constant 0 : index
    %swap3A_246 = arith.constant 0 : index
    %swap3A_247 = vector.load %arg9[%swap3A, %swap3A_246] : memref<1x2xf32, #tpu.memory_space<vmem>>, vector<1x2xf32>
    tpu.vector_store %arg9[%swap3A, %swap3A_246], %transpose3A_245 {strides = array<i32>} : memref<1x2xf32, #tpu.memory_space<vmem>>, vector<1x2xf32>,
    return
  }
}

</mosaic_0001>

<sc_bundles>
// kernel: _run.5.cloned.1.call-start
scs
__scs_entry_jumppad:
0x0: {  	(pc) =	sbr.rel $0x88, $3  }
0x1: {  	(tag) =	ssettag $0x0;
	lr =	simm.s32 $0x1  }
0x2: {  	[smem:$0x3F97] =	sst lr;
	_ =	strace $0xD0000000  }
0x3: {  	_ = 	snop  }
0x4: {  	_ = 	snop  }
0x5: {  	_ = 	snop  }
0x6: {  	_ = 	snop  }
0x7: {  	_ = 	snop  }
__scs_overlays_trampoline_lowered:
0x8: {  	[smem:$0x3FA6] =	sst s0  }
0x9: {  	[smem:$0x3FA7] =	sst s1  }
0xa: {  	[smem:$0x3FA8] =	sst s2  }
0xb: {  	[smem:$0x3FA9] =	sst s3  }
0xc: {  	[smem:$0x3FAA] =	sst s4  }
0xd: {  	[smem:$0x3FAB] =	sst s5  }
0xe: {  	[smem:$0x3FAC] =	sst s6  }
0xf: {  	[smem:$0x3FAD] =	sst s7  }
0x10: {  	[smem:$0x3FAE] =	sst s8  }
0x11: {  	[smem:$0x3FAF] =	sst s9;
	s0 =	simm.s32 @!p0 $0x0  }
0x12: {  	s1 =	sld [smem:$0x3F95];
	s0 =	simm.s32 @p0 $0x1  }
0x13: {  	[smem:$0x3FB0] =	sst s0;
	s0 =	simm.s32 @!p1 $0x0  }
0x14: {  	s2 =	sld [smem:$0x3F94];
	s0 =	simm.s32 @p1 $0x1  }
0x15: {  	[smem:$0x3FB1] =	sst s0;
	s0 =	simm.s32 @!p2 $0x0  }
0x16: {  	s3 =	sld [smem:$0x3FDB];
	s0 =	simm.s32 @p2 $0x1  }
0x17: {  	s4 =	simm.s32 $0x1BF5;
	[smem:$0x3FB3] =	sst s0  }
0x18: {  	s0 =	sld [smem:$0x3F96];
	_ =	swait.ge [sflag:s4], $0x0  }
0x19: {  	s7 =	sld [smem:$0x3F97]  }
0x1a: {  	s8 =	sadd.s32 $0xFFFFE003, lr  }
0x1b: {  	s9 =	sadd.s32 $0xFFFFFEF7, lr;
	s5 =	simm.s32 $0xFFFFFFFF;
	p2 =	slt.u32 s8, $0xFFFFF086  }
0x1c: {  	p1 =	slt.u32 s9, $0xF7A;
	s5 =	simm.s32 @!p2 $0x0  }
0x1d: {  	s5 =	simm.s32 @p1 $0x1;
	p0 =	seq.s32 s7, s2  }
0x1e: {  	s7 =	smul.u32 @!p0 $0xF7A, s2;
	p2 =	seq.s32 @!p0 s5, $0x0  }
0x1f: {  	s9 =	smul.u32 $0xF7A, s1;
	s8 =	simm.s32 @!p0 $0x1BF5;
	p2 =	por !p2, p0  }
0x20: {  	[sflag:s8] =	ssyncset.s32 @!p0 $0xFFFFF086;
	s6 =	sadd.s32 @!p0 s3, s7;
	s7 =	simm.s32 @!p0 $0x108  }
0x21: {  	s3 =	sadd.s32 s3, s9;
	s6 =	sadd.s32 @!p0 $0x88, s6;
	s7 =	simm.s32 @p2 $0x1082  }
0x22: {  	[simem:s7], [sflag:s8] =	dma.local @!p0 [hbm:s6], $0xF7A  }
0x23: {  	s9 =	sor.u32 $0xD0000000, s2;
	s6 =	simm.s32 $0x108;
	_ =	swait.ge @!p0 [sflag:s8], $0x0  }
0x24: {  	s3 =	sadd.s32 $0x88, s3;
	s6 =	simm.s32 @!p1 $0x1082;
	[sflag:s4] =	ssyncset.s32 $0xFFFFF086  }
0x25: {  	[simem:s6], [sflag:s4] =	dma.local [hbm:s3], $0xF7A  }
0x26: {  	[smem:$0x3F97] =	sst s1;
	(tag) =	ssettag s2;
	_ =	strace s9  }
0x27: {  	s1 =	sld [smem:$0x3FA7]  }
0x28: {  	s2 =	sld [smem:$0x3FA8]  }
0x29: {  	s4 =	sld [smem:$0x3FAA]  }
0x2a: {  	p0 =	seq.s32 s5, $0x0;
	s5 =	sld [smem:$0x3FAB]  }
0x2b: {  	s6 =	sld [smem:$0x3FAC]  }
0x2c: {  	s7 =	sld [smem:$0x3FAD]  }
0x2d: {  	s3 =	simm.s32 $0x108;
	s8 =	sld [smem:$0x3FAE]  }
0x2e: {  	s3 =	simm.s32 @!p0 $0x1082;
	s9 =	sld [smem:$0x3FAF]  }
0x2f: {  	lr =	sadd.s32 s0, s3;
	s0 =	sld [smem:$0x3FA6]  }
0x30: {  	s3 =	sld [smem:$0x3FA9]  }
0x31: {  	[smem:$0x3FB2] =	sst s10  }
0x32: {  	s10 =	sld [smem:$0x3FB0];
	_ =	sdelay $0x3  }
0x33: {  	p0 =	seq.s32 s10, $0x1;
	s10 =	sld [smem:$0x3FB2];
	_ =	sdelay $0x3  }
0x34: {  	[smem:$0x3FB2] =	sst s10  }
0x35: {  	s10 =	sld [smem:$0x3FB1];
	_ =	sdelay $0x3  }
0x36: {  	p1 =	seq.s32 s10, $0x1;
	s10 =	sld [smem:$0x3FB2];
	_ =	sdelay $0x3  }
0x37: {  	[smem:$0x3FB2] =	sst s10  }
0x38: {  	s10 =	sld [smem:$0x3FB3]  }
0x39: {  	_ = 	snop;
	(pc) =	sbr.ind lr, $3  }
0x3a: {  	_ = 	snop  }
0x3b: {  	_ = 	snop  }
0x3c: {  	p2 =	seq.s32 s10, $0x1;
	s10 =	sld [smem:$0x3FB2]  }
0x3d: {  	_ =	shalt  }
0x3e: {  	_ =	shalt  }
0x3f: {  	_ =	shalt  }
0x40: {  	_ =	shalt  }
0x41: {  	_ =	shalt  }
0x42: {  	_ =	shalt  }
0x43: {  	_ =	shalt  }
0x44: {  	_ =	shalt  }
0x45: {  	_ =	shalt  }
0x46: {  	_ =	shalt  }
0x47: {  	_ =	shalt  }
0x48: {  	_ =	shalt  }
0x49: {  	_ =	shalt  }
0x4a: {  	_ =	shalt  }
0x4b: {  	_ =	shalt  }
0x4c: {  	_ =	shalt  }
0x4d: {  	_ =	shalt  }
0x4e: {  	_ =	shalt  }
0x4f: {  	_ =	shalt  }
0x50: {  	_ =	shalt  }
0x51: {  	_ =	shalt  }
0x52: {  	_ =	shalt  }
0x53: {  	_ =	shalt  }
0x54: {  	_ =	shalt  }
0x55: {  	_ =	shalt  }
0x56: {  	_ =	shalt  }
0x57: {  	_ =	shalt  }
0x58: {  	_ =	shalt  }
0x59: {  	_ =	shalt  }
0x5a: {  	_ =	shalt  }
0x5b: {  	_ =	shalt  }
0x5c: {  	_ =	shalt  }
0x5d: {  	_ =	shalt  }
0x5e: {  	_ =	shalt  }
0x5f: {  	_ =	shalt  }
0x60: {  	_ =	shalt  }
0x61: {  	_ =	shalt  }
0x62: {  	_ =	shalt  }
0x63: {  	_ =	shalt  }
0x64: {  	_ =	shalt  }
0x65: {  	_ =	shalt  }
0x66: {  	_ =	shalt  }
0x67: {  	_ =	shalt  }
0x68: {  	_ =	shalt  }
0x69: {  	_ =	shalt  }
0x6a: {  	_ =	shalt  }
0x6b: {  	_ =	shalt  }
0x6c: {  	_ =	shalt  }
0x6d: {  	_ =	shalt  }
0x6e: {  	_ =	shalt  }
0x6f: {  	_ =	shalt  }
0x70: {  	_ =	shalt  }
0x71: {  	_ =	shalt  }
0x72: {  	_ =	shalt  }
0x73: {  	_ =	shalt  }
0x74: {  	_ =	shalt  }
0x75: {  	_ =	shalt  }
0x76: {  	_ =	shalt  }
0x77: {  	_ =	shalt  }
0x78: {  	_ =	shalt  }
0x79: {  	_ =	shalt  }
0x7a: {  	_ =	shalt  }
0x7b: {  	_ =	shalt  }
0x7c: {  	_ =	shalt  }
0x7d: {  	_ =	shalt  }
0x7e: {  	_ =	shalt  }
0x7f: {  	_ =	shalt  }
0x80: {  	_ =	shalt  }
0x81: {  	_ =	shalt  }
0x82: {  	_ =	shalt  }
0x83: {  	_ =	shalt  }
0x84: {  	_ =	shalt  }
0x85: {  	_ =	shalt  }
0x86: {  	_ =	shalt  }
0x87: {  	_ =	shalt  }
.Lfunc_end0:
.L_simem_size_0:
called_computation_lowered:
.L_overlay_start_0:
0x88: {  	s0 =	sld [smem:$0x3FD9]  }
0x89: {  	s1 =	sld [smem:$0x3FFE];
	_ =	sdelay $0x3  }
0x8a: {  	s0 =	sadd.s32 s1, s0  }
0x8b: {  	[smem:$0x3FBE] =	sst s0  }
0x8c: {  	_ = 	snop  }
0x8d: {  	s0 =	sld [smem:$0x3FC8];
	(tm) =	ssettm $0x1  }
0x8e: {  	s16 =	sld [smem:$0x3FFB];
	_ =	sdelay $0x3  }
0x8f: {  	_ =	strace s16  }
0x90: {  	s1 =	sld [smem:$0x3FFC];
	_ =	sdelay $0x3  }
0x91: {  	_ =	strace s1  }
0x92: {  	s1 =	sld [smem:$0x3FFD];
	_ =	sdelay $0x3  }
0x93: {  	_ =	strace s1  }
0x94: {  	_ =	strace $0x8FFFFFFF  }
0x95: {  	s17 =	sld [smem:$0x3FDB];
	_ =	sdelay $0x1  }
0x96: {  	s2 =	simm.s32 $_scs_section_size  }
0x97: {  	s3 =	simm.s32 $_size__tile_overlayer_lowered;
	s4 =	simm.s32 $_tile_overlayer_lowered  }
0x98: {  	s20 =	simm.s32 $0x1BFF;
	s19 =	sshll.u32 s4, $0x1;
	s1 =	sadd.s32 s2, s17  }
0x99: {  	s5 =	simm.s32 $0x0;
	s18 =	sshll.u32 s3, $0x1;
	s3 =	sadd.s32 s19, s1  }
0x9a: {  	[timem:s5], [sflag:s20] =	dma.local [hbm:s3], s18  }
0x9b: {  	_ =	swait.ge [sflag:s20], s18  }
0x9c: {  	s2 =	ssub.s32 $0x0, s18;
	[sflag:s20] =	ssyncset.done $0x0  }
0x9d: {  	[sflag:s20] =	ssyncadd.s32 s2;
	_ =	sdelay $0x1  }
0x9e: {  	s21 =	simm.s32 $0x1B8B  }
0x9f: {  	_ =	swait.ge [sflag:s21], $0x1  }
0xa0: {  	[sflag:s21] =	ssyncset.done $0x0  }
0xa1: {  	s23 =	simm.s32 $0x1B8E;
	s22 =	sld [smem:$0x3FFE];
	[sflag:s21] =	ssyncadd.s32 $0xFFFFFFFF  }
0xa2: {  	s24 =	simm.s32 $execute0_lowered;
	[smem:$0x3FD2] =	sst s23  }
0xa3: {  	s3 =	sshll.u32 s24, $0x1;
	_ =	strace $0x80000046;
	[dreg:$0x1] =	wrdreg $0xFFFFFFFF  }
0xa4: {  	s25 =	simm.s32 $_size_execute0_lowered;
	s1 =	sadd.s32 s1, s3;
	[dreg:$0x0] =	wrdreg $0x0  }
0xa5: {  	s3 =	sshll.u32 s25, $0x1;
	[dreg:$0x2] =	wrdreg s1  }
0xa6: {  	[dreg:$0x3] =	wrdreg s3  }
0xa7: {  	[dreg:$0x4] =	wrdreg $0xC0  }
0xa8: {  	_ =	task [dreg:s5], $0x5FFFF  }
0xa9: {  	[dreg:$0x1] =	wrdreg $0xFFFFFFFF  }
0xaa: {  	[dreg:$0x0] =	wrdreg $0x60  }
0xab: {  	[dreg:$0x2] =	wrdreg s0  }
0xac: {  	[dreg:$0x3] =	wrdreg s22  }
0xad: {  	[dreg:$0x4] =	wrdreg $0x7800  }
0xae: {  	[dreg:$0x5] =	wrdreg $0x9  }
0xaf: {  	_ =	task.clear_ibuf [dreg:s5], $0x6FFFF;
	_ =	strace $0x90000046  }
0xb0: {  	s26 =	simm.s32 $0x9;
	_ =	strace $0x80000048  }
0xb1: {  	_ =	swait.ge [sflag:s26], $0x1  }
0xb2: {  	[sflag:s26] =	ssyncadd.s32 $0xFFFFFFFF  }
0xb3: {  	_ =	strace $0x90000048  }
0xb4: {  	_ =	sfence  }
0xb5: {  	s28 =	sld [smem:$0x0];
	_ =	sdelay $0x1  }
0xb6: {  	s29 =	srdreg.scid  }
0xb7: {  	s30 =	sshll.u32 s29, $0xD;
	s31 =	sshrl.u32 s29, $0x2  }
0xb8: {  	s2 =	sand.u32 $0x4000, s30;
	s1 =	sand.u32 $0x1, s29;
	s0 =	sadd.s32 s31, s28  }
0xb9: {  	s1 =	sor.u32 s2, s1;
	s0 =	sshll.u32 s0, $0x11  }
0xba: {  	s0 =	sor.u32 s0, s1  }
0xbb: {  	s0 =	sadd.s32 $0x8F2B, s0  }
0xbc: {  	[sflag:s0] =	ssyncadd.remote.s32 $0x1  }
0xbd: {  	_ =	sfence.sel $0xFFFF  }
0xbe: {  	[dreg:$0x0] =	wrdreg $0xFFFFFFFF;
	(pc) =	sbr.abs _section_cstart, $3  }
0xbf: {  	[dreg:$0x1] =	wrdreg $0xFFFFFFFF  }
0xc0: {  	_ =	task.clear_ibuf [dreg:s5], $0x2FFFF;
	_ =	strace $0x9FFFFFFF  }
0xc1: {  	(tm) =	ssettm $0x7FFFFFFF  }
tec
execute0_lowered:
.L_overlay_start_1:
0x0: {  	(tag) =	ssettag $0x1  }
0x1: {  	s3 =	rddreg [dreg:$0x0]  }
0x2: {  	s2 =	rddreg [dreg:$0x1]  }
0x3: {  	s1 =	rddreg [dreg:$0x2];
	s4 =	stileid.u32  }
0x4: {  	s0 =	rddreg [dreg:$0x3];
	_ =	strace $0x80000047;
	p0 =	sne.s32 s4, $0x0  }
0x5: {  	_ =	sfence.sel @p0 $0x180000  }
0x6: {  	[bflag:$0x0] =	sbarrier.arrive @p0 $0xFFFF  }
0x7: {  	_ =	strace @p0 $0x90000047  }
0x8: {  	[bflag:$0x2] =	sbarrier.arrive @p0 $0xFFFF  }
0x9: {  	_ =	shalt @p0  }
.LBB2_1:
0xa: {  	v0 =	vimm.f32 $0.0e+00  }
0xb: {  	[tilespmem:$0x500] =	vst v0  }
0xc: {  	[tilespmem:$0x510] =	vst v0  }
0xd: {  	[tilespmem:$0x520] =	vst v0  }
0xe: {  	[tilespmem:$0x530] =	vst v0  }
0xf: {  	[tilespmem:$0x540] =	vst v0  }
0x10: {  	[tilespmem:$0x550] =	vst v0  }
0x11: {  	[tilespmem:$0x560] =	vst v0  }
0x12: {  	[tilespmem:$0x570] =	vst v0  }
0x13: {  	[tilespmem:$0x580] =	vst v0  }
0x14: {  	[tilespmem:$0x590] =	vst v0  }
0x15: {  	[tilespmem:$0x5A0] =	vst v0  }
0x16: {  	[tilespmem:$0x5B0] =	vst v0  }
0x17: {  	[tilespmem:$0x5C0] =	vst v0  }
0x18: {  	[tilespmem:$0x5D0] =	vst v0  }
0x19: {  	[tilespmem:$0x5E0] =	vst v0  }
0x1a: {  	[tilespmem:$0x5F0] =	vst v0  }
0x1b: {  	[tilespmem:$0x600] =	vst v0  }
0x1c: {  	[tilespmem:$0x610] =	vst v0  }
0x1d: {  	[tilespmem:$0x620] =	vst v0  }
0x1e: {  	[tilespmem:$0x630] =	vst v0  }
0x1f: {  	[tilespmem:$0x640] =	vst v0  }
0x20: {  	[tilespmem:$0x650] =	vst v0  }
0x21: {  	[tilespmem:$0x660] =	vst v0  }
0x22: {  	[tilespmem:$0x670] =	vst v0  }
0x23: {  	[tilespmem:$0x680] =	vst v0  }
0x24: {  	[tilespmem:$0x690] =	vst v0  }
0x25: {  	[tilespmem:$0x6A0] =	vst v0  }
0x26: {  	[tilespmem:$0x6B0] =	vst v0  }
0x27: {  	[tilespmem:$0x6C0] =	vst v0  }
0x28: {  	[tilespmem:$0x6D0] =	vst v0  }
0x29: {  	[tilespmem:$0x6E0] =	vst v0  }
0x2a: {  	[tilespmem:$0x6F0] =	vst v0  }
0x2b: {  	[tilespmem:$0x700] =	vst v0  }
0x2c: {  	[tilespmem:$0x710] =	vst v0  }
0x2d: {  	[tilespmem:$0x720] =	vst v0  }
0x2e: {  	v39 =	vimm.f32 $1.000000000e+00;
	[tilespmem:$0x730] =	vst v0  }
0x2f: {  	[tilespmem:$0x480] =	vst v39  }
0x30: {  	[tilespmem:$0x490] =	vst v39  }
0x31: {  	[tilespmem:$0x4A0] =	vst v39  }
0x32: {  	[tilespmem:$0x4B0] =	vst v39  }
0x33: {  	[tilespmem:$0x4C0] =	vst v39  }
0x34: {  	[tilespmem:$0x4D0] =	vst v39  }
0x35: {  	[tilespmem:$0x4E0] =	vst v39  }
0x36: {  	s4 =	simm.s32 $0x0;
	[tilespmem:$0x4F0] =	vst v39  }
0x37: {  	[tilespmem:s4], [sflag:$0x1] =	stream.linear.gather [hbm4b:s3+s4], $0x300, $0x38;
	[tilespmem:$0x7A8] =	vst v63  }
0x38: {  	s22 =	simm.s32 $0x500;
	s23 =	simm.s32 $0x1  }
0x39: {  	[spmem:s1] =	stream.linear.scatter [tilespmem:s22], [sflag:$0x2], $0x280, $0x38;
	[tilespmem:$0x7A8] =	vst v63  }
0x3a: {  	_ =	swait.ge [sflag:s23], $0x300  }
0x3b: {  	[sflag:s23] =	ssyncset.done $0x0  }
0x3c: {  	[sflag:s23] =	ssyncadd.s32 $0xFFFFFD00  }
0x3d: {  	v40 =	vld [tilespmem:$0x0]  }
0x3e: {  	v1 =	vld [tilespmem:$0x80]  }
0x3f: {  	v2 =	vld [tilespmem:$0x10]  }
0x40: {  	v3 =	vld [tilespmem:$0x90]  }
0x41: {  	v4 =	vld [tilespmem:$0x20]  }
0x42: {  	v5 =	vld [tilespmem:$0xA0]  }
0x43: {  	v6 =	vld [tilespmem:$0x30]  }
0x44: {  	v7 =	vld [tilespmem:$0xB0]  }
0x45: {  	v8 =	vld [tilespmem:$0x40]  }
0x46: {  	v9 =	vld [tilespmem:$0xC0]  }
0x47: {  	v10 =	vld [tilespmem:$0x50]  }
0x48: {  	v11 =	vld [tilespmem:$0xD0]  }
0x49: {  	v12 =	vld [tilespmem:$0x60]  }
0x4a: {  	v13 =	vld [tilespmem:$0xE0]  }
0x4b: {  	v14 =	vld [tilespmem:$0x70]  }
0x4c: {  	v15 =	vld [tilespmem:$0xF0]  }
0x4d: {  	v16 =	vld [tilespmem:$0x100]  }
0x4e: {  	v17 =	vld [tilespmem:$0x180]  }
0x4f: {  	v18 =	vld [tilespmem:$0x110]  }
0x50: {  	v19 =	vld [tilespmem:$0x190]  }
0x51: {  	v20 =	vld [tilespmem:$0x120]  }
0x52: {  	v21 =	vld [tilespmem:$0x1A0]  }
0x53: {  	v22 =	vld [tilespmem:$0x130]  }
0x54: {  	v23 =	vld [tilespmem:$0x1B0]  }
0x55: {  	v24 =	vld [tilespmem:$0x140]  }
0x56: {  	v25 =	vld [tilespmem:$0x1C0]  }
0x57: {  	v26 =	vld [tilespmem:$0x150]  }
0x58: {  	v27 =	vld [tilespmem:$0x1D0];
	v1 =	vmul.u32 $0x18, v1  }
0x59: {  	v28 =	vld [tilespmem:$0x160];
	v3 =	vmul.u32 $0x18, v3  }
0x5a: {  	v42 =	vld [tilespmem:$0x1E0];
	v41 =	vmul.u32 $0x18, v5;
	v0 =	vadd.s32 v40, v1  }
0x5b: {  	v45 =	vld [tilespmem:$0x170];
	v44 =	vmul.u32 $0x18, v7;
	v43 =	vadd.s32 v2, v3;
	[tilespmem:$0x300] =	vst v0  }
0x5c: {  	v48 =	vld [tilespmem:$0x1F0];
	v47 =	vmul.u32 $0x18, v9;
	v46 =	vadd.s32 v4, v41;
	[tilespmem:$0x310] =	vst v43  }
0x5d: {  	v51 =	vld [tilespmem:$0x200];
	v50 =	vmul.u32 $0x18, v11;
	v49 =	vadd.s32 v6, v44;
	[tilespmem:$0x320] =	vst v46  }
0x5e: {  	v54 =	vld [tilespmem:$0x280];
	v53 =	vmul.u32 $0x18, v13;
	v52 =	vadd.s32 v8, v47;
	[tilespmem:$0x330] =	vst v49  }
0x5f: {  	v57 =	vld [tilespmem:$0x210];
	v56 =	vmul.u32 $0x18, v15;
	v55 =	vadd.s32 v10, v50;
	[tilespmem:$0x340] =	vst v52  }
0x60: {  	v60 =	vld [tilespmem:$0x290];
	v59 =	vmul.u32 $0x18, v17;
	v58 =	vadd.s32 v12, v53;
	[tilespmem:$0x350] =	vst v55  }
0x61: {  	v63 =	vld [tilespmem:$0x220];
	v62 =	vmul.u32 $0x18, v19;
	v61 =	vadd.s32 v14, v56;
	[tilespmem:$0x360] =	vst v58  }
0x62: {  	v37 =	vld [tilespmem:$0x2C0];
	v30 =	vmul.u32 $0x18, v25;
	v15 =	vadd.s32 v16, v59;
	[tilespmem:$0x370] =	vst v61  }
0x63: {  	v31 =	vld [tilespmem:$0x2B0];
	v33 =	vmul.u32 $0x18, v27;
	v19 =	vadd.s32 v18, v62;
	[tilespmem:$0x380] =	vst v15  }
0x64: {  	v34 =	vld [tilespmem:$0x240];
	v36 =	vmul.u32 $0x18, v42;
	v35 =	vadd.s32 v24, v30;
	[tilespmem:$0x390] =	vst v19  }
0x65: {  	v17 =	vld [tilespmem:$0x2A0];
	v39 =	vmul.u32 $0x18, v48;
	v42 =	vmul.u32 $0x18, v54;
	v38 =	vadd.s32 v26, v33;
	[tilespmem:$0x3C0] =	vst v35  }
0x66: {  	v16 =	vmul.u32 $0x18, v21;
	v21 =	vmul.u32 $0x18, v23;
	v23 =	vld [tilespmem:$0x230];
	v41 =	vadd.s32 v28, v36;
	[tilespmem:$0x3D0] =	vst v38  }
0x67: {  	v54 =	vmul.u32 $0x18, v37;
	v40 =	vld [tilespmem:$0x250];
	v44 =	vadd.s32 v45, v39;
	[tilespmem:$0x3E0] =	vst v41  }
0x68: {  	v47 =	vadd.s32 v51, v42;
	v43 =	vld [tilespmem:$0x2D0];
	[tilespmem:$0x3F0] =	vst v44  }
0x69: {  	v46 =	vld [tilespmem:$0x2E0];
	[tilespmem:$0x400] =	vst v47;
	v58 =	vadd.s32 v34, v54  }
0x6a: {  	v45 =	vmul.u32 $0x18, v60;
	v49 =	vld [tilespmem:$0x2F0];
	v29 =	vadd.s32 v20, v16;
	[tilespmem:$0x440] =	vst v58  }
0x6b: {  	v52 =	vld [tilespmem:$0x260];
	v32 =	vadd.s32 v22, v21;
	[tilespmem:$0x3A0] =	vst v29;
	v48 =	vmul.u32 $0x18, v17  }
0x6c: {  	v51 =	vmul.u32 $0x18, v31;
	v55 =	vld [tilespmem:$0x270];
	v50 =	vadd.s32 v57, v45;
	[tilespmem:$0x3B0] =	vst v32  }
0x6d: {  	[tilespmem:$0x410] =	vst v50;
	v53 =	vadd.s32 v63, v48;
	v57 =	vmul.u32 $0x18, v43  }
0x6e: {  	v56 =	vadd.s32 v23, v51;
	[tilespmem:$0x420] =	vst v53;
	v59 =	vmul.u32 $0x18, v46  }
0x6f: {  	[tilespmem:$0x430] =	vst v56;
	v61 =	vmul.u32 $0x18, v49;
	v60 =	vadd.s32 v40, v57  }
0x70: {  	v62 =	vadd.s32 v52, v59;
	[tilespmem:$0x450] =	vst v60  }
0x71: {  	v63 =	vadd.s32 v55, v61;
	[tilespmem:$0x460] =	vst v62  }
0x72: {  	s24 =	simm.s32 $0x2;
	[tilespmem:$0x470] =	vst v63  }
0x73: {  	_ =	swait.ge [sflag:s24], $0x280  }
0x74: {  	s25 =	simm.s32 $0x80;
	[sflag:s24] =	ssyncset.done $0x0  }
0x75: {  	s5 =	simm.s32 $0x300;
	s6 =	simm.s32 $0x480;
	[sflag:s24] =	ssyncadd.s32 $0xFFFFFD80  }
0x76: {  	[spmem:s1] =	stream.indirect.scatter.add.f32 [tilespmem:s6], [sflag:$0x1], $0x1, s5, s25, $0xb8;
	[tilespmem:$0x7A8] =	vst v63  }
0x77: {  	s26 =	simm.s32 $0x380  }
0x78: {  	[spmem:s1] =	stream.indirect.scatter.add.f32 [tilespmem:s6], [sflag:$0x1], $0x1, s26, s25, $0xb8;
	[tilespmem:$0x7A8] =	vst v63  }
0x79: {  	s28 =	simm.s32 $0x400  }
0x7a: {  	[spmem:s1] =	stream.indirect.scatter.add.f32 [tilespmem:s6], [sflag:$0x1], $0x1, s28, s25, $0xb8;
	[tilespmem:$0x7A8] =	vst v63  }
0x7b: {  	_ =	swait.ge [sflag:s23], $0x80  }
0x7c: {  	[sflag:s23] =	ssyncset.done $0x0  }
0x7d: {  	[sflag:s23] =	ssyncadd.s32 $0xFFFFFF80  }
0x7e: {  	_ =	swait.ge [sflag:s23], $0x80  }
0x7f: {  	[sflag:s23] =	ssyncset.done $0x0  }
0x80: {  	[sflag:s23] =	ssyncadd.s32 $0xFFFFFF80  }
0x81: {  	_ =	swait.ge [sflag:s23], $0x80  }
0x82: {  	s2 =	sadd.s32 $0x1A00, s2;
	s29 =	sshrl.u32 s1, $0x3;
	[sflag:s23] =	ssyncset.done $0x0  }
0x83: {  	s30 =	simm.s32 $0x1C03;
	s31 =	simm.s32 $0x3;
	[sflag:s23] =	ssyncadd.s32 $0xFFFFFF80  }
0x84: {  	[hbm:s2], [sflag:s30] =	dma.local [spmem:s29], $0x50  }
0x85: {  	_ =	swait.ge [sflag:s31], $0x50  }
0x86: {  	[sflag:s31] =	ssyncset.done $0x0  }
0x87: {  	[sflag:s31] =	ssyncadd.s32 $0xFFFFFFB0  }
0x88: {  	_ =	sfence.sel $0x180000  }
0x89: {  	[bflag:$0x0] =	sbarrier.arrive $0xFFFF  }
0x8a: {  	_ =	strace $0x90000047  }
0x8b: {  	s0 =	sadd.s32 $0x100000, s0;
	[bflag:$0x2] =	sbarrier.arrive $0xFFFF  }
0x8c: {  	[sflag:s0] =	ssyncadd.tile.s32 $0x1;
	_ =	shalt  }
.Lfunc_end2:
_tile_overlayer_lowered:
.L_overlay_start_2:
0x8d: {  	(tag) =	ssettag $0x2  }
0x8e: {  	s0 =	rddreg [dreg:$0x0];
	s2 =	stileid.u32  }
0x8f: {  	s1 =	rddreg [dreg:$0x1];
	p0 =	sne.s32 s2, $0x0  }
0x90: {  	s3 =	rddreg [dreg:$0x2];
	[bflag:$0x3] =	sbarrier.arrive $0xFFFF;
	s2 =	simm.s32 @!p0 $0x1C03  }
0x91: {  	[timem:s3], [sflag:s2] =	dma.local @!p0 [hbm:s0], s1  }
0x92: {  	s0 =	simm.s32 @!p0 $0x3  }
0x93: {  	_ =	swait.ge @!p0 [sflag:s0], s1  }
0x94: {  	s1 =	ssub.s32 @!p0 $0x0, s1;
	[sflag:s0] =	ssyncset.done @!p0 $0x0  }
0x95: {  	[sflag:s0] =	ssyncadd.s32 @!p0 s1  }
0x96: {  	[bflag:$0x3] =	sbarrier.arrive $0xFFFF  }
0x97: {  	_ =	shalt  }

</sc_bundles>
